<compile_context>
chip_gen: v7x
topology: tpu7x:2x2x1
jax: 0.10.2.dev20260603
libtpu: 0.0.44.dev20260713+nightly
codegen_flags: <defaults>
</compile_context>

<pallas_src>
import jax
import jax.numpy as jnp
from jax import lax
from jax.experimental import pallas as pl
from jax.experimental.pallas import tpu as pltpu
from jax.experimental.pallas import tpu_sc as plsc

B = 4
N = 5000
NPAD = 5008
NCHUNKS = NPAD // 16
POST = 300
KPAD = 320
KCHUNKS = KPAD // 16
THRESH = 0.7

NC = 1
NS = 16
NW = NC * NS
NCLIP = NW - B
ROWS_FULL = 1680
ROWS_LAST = B * N - ROWS_FULL * (NCLIP - 1)


def _nms_body(b, rois_hbm, order_hbm, idx_hbm, roi_v, ord_v,
              x1v, y1v, x2v, y2v, arv, kx1, ky1, kx2, ky2, kar, oidx,
              mx, my):
    pltpu.sync_copy(rois_hbm.at[pl.ds(b * N * 4, N * 4)],
                    roi_v.at[pl.ds(0, N * 4)])
    pltpu.sync_copy(order_hbm.at[b], ord_v)

    z16 = jnp.zeros((16,), jnp.int32)
    zf = jnp.zeros((16,), jnp.float32)

    def prep(k, _):
        base = k * 16
        ordc = ord_v[pl.ds(base, 16)] * 4
        cx = plsc.load_gather(roi_v, [ordc])
        cy = plsc.load_gather(roi_v, [ordc + 1])
        w = plsc.load_gather(roi_v, [ordc + 2])
        h = plsc.load_gather(roi_v, [ordc + 3])
        x1 = jnp.minimum(jnp.maximum(cx - 0.5 * w, 0.0), mx)
        y1 = jnp.minimum(jnp.maximum(cy - 0.5 * h, 0.0), my)
        x2 = jnp.minimum(jnp.maximum(cx + 0.5 * w, 0.0), mx)
        y2 = jnp.minimum(jnp.maximum(cy + 0.5 * h, 0.0), my)
        x1v[pl.ds(base, 16)] = x1
        y1v[pl.ds(base, 16)] = y1
        x2v[pl.ds(base, 16)] = x2
        y2v[pl.ds(base, 16)] = y2
        arv[pl.ds(base, 16)] = (x2 - x1) * (y2 - y1)
        return 0

    lax.fori_loop(0, NCHUNKS, prep, 0)

    def init_kept(k, _):
        base = k * 16
        kx1[pl.ds(base, 16)] = zf
        ky1[pl.ds(base, 16)] = zf
        kx2[pl.ds(base, 16)] = zf
        ky2[pl.ds(base, 16)] = zf
        kar[pl.ds(base, 16)] = zf
        oidx[pl.ds(base, 16)] = z16 - 1
        return 0

    lax.fori_loop(0, KCHUNKS, init_kept, 0)

    lane0 = lax.iota(jnp.int32, 16) == 0

    def cond(state):
        i, cnt = state
        return (i < N) & (cnt < POST)

    def body(state):
        i, cnt = state
        ia = z16 + i
        ib = ia + 1
        x1a = plsc.load_gather(x1v, [ia])
        y1a = plsc.load_gather(y1v, [ia])
        x2a = plsc.load_gather(x2v, [ia])
        y2a = plsc.load_gather(y2v, [ia])
        ara = plsc.load_gather(arv, [ia])
        x1b = plsc.load_gather(x1v, [ib])
        y1b = plsc.load_gather(y1v, [ib])
        x2b = plsc.load_gather(x2v, [ib])
        y2b = plsc.load_gather(y2v, [ib])
        arb = plsc.load_gather(arv, [ib])

        def iou_hit(x1i, y1i, x2i, y2i, ari, a1, b1, a2, b2, ka):
            ww = jnp.maximum(jnp.minimum(x2i, a2) - jnp.maximum(x1i, a1), 0.0)
            hh = jnp.maximum(jnp.minimum(y2i, b2) - jnp.maximum(y1i, b1), 0.0)
            inter = ww * hh
            d = (ari + ka) - inter + 1e-9
            return inter > THRESH * d

        def chk(c, acc):
            kb = c * 16
            a1 = kx1[pl.ds(kb, 16)]
            b1 = ky1[pl.ds(kb, 16)]
            a2 = kx2[pl.ds(kb, 16)]
            b2 = ky2[pl.ds(kb, 16)]
            ka = kar[pl.ds(kb, 16)]
            acca, accb = acc
            ha = iou_hit(x1a, y1a, x2a, y2a, ara, a1, b1, a2, b2, ka)
            hb = iou_hit(x1b, y1b, x2b, y2b, arb, a1, b1, a2, b2, ka)
            return acca | ha, accb | hb

        nch = (cnt + 15) // 16
        zb = jnp.zeros((16,), jnp.bool_)
        hita, hitb = lax.fori_loop(0, nch, chk, (zb, zb))
        pair = iou_hit(x1b, y1b, x2b, y2b, arb, x1a, y1a, x2a, y2a, ara)
        keepa = jnp.logical_not(jnp.any(hita))
        keepb = jnp.logical_not(jnp.any(hitb) | (keepa & jnp.any(pair)))
        wma = lane0 & keepa
        ca16 = z16 + cnt
        plsc.store_scatter(kx1, [ca16], x1a, mask=wma)
        plsc.store_scatter(ky1, [ca16], y1a, mask=wma)
        plsc.store_scatter(kx2, [ca16], x2a, mask=wma)
        plsc.store_scatter(ky2, [ca16], y2a, mask=wma)
        plsc.store_scatter(kar, [ca16], ara, mask=wma)
        ova = plsc.load_gather(ord_v, [ia])
        plsc.store_scatter(oidx, [ca16], ova, mask=wma)
        cntb = cnt + jnp.where(keepa, 1, 0)
        wmb = lane0 & keepb
        cb16 = z16 + cntb
        plsc.store_scatter(kx1, [cb16], x1b, mask=wmb)
        plsc.store_scatter(ky1, [cb16], y1b, mask=wmb)
        plsc.store_scatter(kx2, [cb16], x2b, mask=wmb)
        plsc.store_scatter(ky2, [cb16], y2b, mask=wmb)
        plsc.store_scatter(kar, [cb16], arb, mask=wmb)
        ovb = plsc.load_gather(ord_v, [ib])
        plsc.store_scatter(oidx, [cb16], ovb, mask=wmb)
        return i + 2, cntb + jnp.where(keepb, 1, 0)

    lax.while_loop(cond, body, (jnp.int32(0), jnp.int32(0)))
    pltpu.sync_copy(oidx, idx_hbm.at[b])


def _clip_rows(start, nrows, rois_hbm, clip_hbm, roi_v, clipout_v, mx, my):
    pltpu.sync_copy(rois_hbm.at[pl.ds(start * 4, nrows * 4)],
                    roi_v.at[pl.ds(0, nrows * 4)])
    li = lax.iota(jnp.int32, 16)

    def one(k, _):
        bidx = (li + k * 16) * 4
        cx = plsc.load_gather(roi_v, [bidx])
        cy = plsc.load_gather(roi_v, [bidx + 1])
        w = plsc.load_gather(roi_v, [bidx + 2])
        h = plsc.load_gather(roi_v, [bidx + 3])
        x1 = jnp.minimum(jnp.maximum(cx - 0.5 * w, 0.0), mx)
        y1 = jnp.minimum(jnp.maximum(cy - 0.5 * h, 0.0), my)
        x2 = jnp.minimum(jnp.maximum(cx + 0.5 * w, 0.0), mx)
        y2 = jnp.minimum(jnp.maximum(cy + 0.5 * h, 0.0), my)
        plsc.store_scatter(clipout_v, [bidx], x1)
        plsc.store_scatter(clipout_v, [bidx + 1], y1)
        plsc.store_scatter(clipout_v, [bidx + 2], x2)
        plsc.store_scatter(clipout_v, [bidx + 3], y2)
        return 0

    lax.fori_loop(0, nrows // 16, one, 0)
    pltpu.sync_copy(clipout_v.at[pl.ds(0, nrows * 4)],
                    clip_hbm.at[pl.ds(start * 4, nrows * 4)])


def _sc_kernel(rois_hbm, order_hbm, maxx_hbm, maxy_hbm, clip_hbm, idx_hbm,
               roi_v, ord_v, x1v, y1v, x2v, y2v, arv,
               kx1, ky1, kx2, ky2, kar, oidx, mx_v, my_v, clipout_v):
    wid = lax.axis_index("s") * NC + lax.axis_index("c")
    pltpu.sync_copy(maxx_hbm, mx_v)
    pltpu.sync_copy(maxy_hbm, my_v)
    mx = mx_v[...]
    my = my_v[...]

    @pl.when(wid < B)
    def _():
        _nms_body(wid, rois_hbm, order_hbm, idx_hbm, roi_v, ord_v,
                  x1v, y1v, x2v, y2v, arv, kx1, ky1, kx2, ky2, kar, oidx,
                  mx, my)

    t = wid - B

    @pl.when((wid >= B) & (t < NCLIP - 1))
    def _():
        _clip_rows(t * ROWS_FULL, ROWS_FULL, rois_hbm, clip_hbm,
                   roi_v, clipout_v, mx, my)

    @pl.when(t == NCLIP - 1)
    def _():
        _clip_rows(t * ROWS_FULL, ROWS_LAST, rois_hbm, clip_hbm,
                   roi_v, clipout_v, mx, my)


@jax.jit
def kernel(scores, rois, img_size):
    order = jnp.argsort(-scores, axis=-1).astype(jnp.int32)
    order = jnp.pad(order, ((0, 0), (0, NPAD - N)))
    rois1d = rois.reshape(B * N * 4)
    maxx16 = jnp.full((16,), img_size[1].astype(jnp.float32) - 1.0)
    maxy16 = jnp.full((16,), img_size[0].astype(jnp.float32) - 1.0)

    mesh = plsc.VectorSubcoreMesh(core_axis_name="c", subcore_axis_name="s",
                                  num_cores=NC, num_subcores=NS)
    run = pl.kernel(
        _sc_kernel,
        out_type=(jax.ShapeDtypeStruct((B * N * 4,), jnp.float32),
                  jax.ShapeDtypeStruct((B, KPAD), jnp.int32)),
        mesh=mesh,
        compiler_params=pltpu.CompilerParams(needs_layout_passes=False),
        scratch_types=[
            pltpu.VMEM((NPAD * 4,), jnp.float32),
            pltpu.VMEM((NPAD,), jnp.int32),
            pltpu.VMEM((NPAD,), jnp.float32),
            pltpu.VMEM((NPAD,), jnp.float32),
            pltpu.VMEM((NPAD,), jnp.float32),
            pltpu.VMEM((NPAD,), jnp.float32),
            pltpu.VMEM((NPAD,), jnp.float32),
            pltpu.VMEM((KPAD,), jnp.float32),
            pltpu.VMEM((KPAD,), jnp.float32),
            pltpu.VMEM((KPAD,), jnp.float32),
            pltpu.VMEM((KPAD,), jnp.float32),
            pltpu.VMEM((KPAD,), jnp.float32),
            pltpu.VMEM((KPAD,), jnp.int32),
            pltpu.VMEM((16,), jnp.float32),
            pltpu.VMEM((16,), jnp.float32),
            pltpu.VMEM((ROWS_FULL * 4,), jnp.float32),
        ],
    )
    clip1d, idxp = run(rois1d, order, maxx16, maxy16)
    return clip1d.reshape(B, N, 4), idxp[:, :POST]

# --- scband reference (transcript-rebuilt; emitter-appended) ---
"""Pipeline reference for scband-proposal-71425306132562 (READ-ONLY COPY).

The authoritative reference and input builder live on the scoring server;
editing this copy changes nothing except your own understanding.
"""

import jax, jax.numpy as jnp
import numpy as np
from jax import lax

NMS_THRESHOLD = 0.7
POST_NMS_TEST = 300

def center2corner(rois):
    cx = rois[..., 0]
    cy = rois[..., 1]
    w = rois[..., 2]
    h = rois[..., 3]
    return jnp.stack([cx - 0.5 * w, cy - 0.5 * h, cx + 0.5 * w, cy + 0.5 * h], axis=-1)

def nms_single(boxes, scores, thresh, post_nms):
    N = boxes.shape[0]
    order = jnp.argsort(-scores)
    b = boxes[order]
    x1, y1, x2, y2 = b[:, 0], b[:, 1], b[:, 2], b[:, 3]
    areas = (x2 - x1) * (y2 - y1)
    xx1 = jnp.maximum(x1[:, None], x1[None, :])
    yy1 = jnp.maximum(y1[:, None], y1[None, :])
    xx2 = jnp.minimum(x2[:, None], x2[None, :])
    yy2 = jnp.minimum(y2[:, None], y2[None, :])
    inter = jnp.maximum(xx2 - xx1, 0.0) * jnp.maximum(yy2 - yy1, 0.0)
    iou = inter / (areas[:, None] + areas[None, :] - inter + 1e-9)
    jrange = jnp.arange(N)
    def body(i, keep):
        sup = (iou[i] > thresh) & (jrange > i) & keep[i]
        return keep & (~sup)
    keep = lax.fori_loop(0, N, body, jnp.ones((N,), dtype=bool))
    idx = jnp.nonzero(keep, size=post_nms, fill_value=-1)[0]
    kept = jnp.where(idx >= 0, order[idx], -1)
    return kept

def setup_inputs(seed: int = 0):
    key = jax.random.key(seed)
    k1, k2, k3 = jax.random.split(key, 3)
    B, N = 4, 5000
    scores = jax.random.uniform(k1, (B, N), dtype=jnp.float32)
    u = jax.random.uniform(k2, (B, N, 4), dtype=jnp.float32)
    scale = jnp.array([512.0, 512.0, 64.0, 64.0], dtype=jnp.float32)
    offset = jnp.array([0.0, 0.0, 8.0, 8.0], dtype=jnp.float32)
    rois = u * scale + offset
    img_size = jax.random.randint(k3, (2,), 256, 512, dtype=jnp.int32)
    return {"scores": scores, "rois": rois, "img_size": img_size}

def reference(scores, rois, img_size):
    to_clip = center2corner(rois)
    maxv = jnp.array([img_size[1], img_size[0], img_size[1], img_size[0]], dtype=jnp.float32) - 1.0
    to_clip = jnp.clip(to_clip, 0.0, maxv)
    indexes = []
    for i in range(scores.shape[0]):
        indexes.append(nms_single(to_clip[i], scores[i], NMS_THRESHOLD, POST_NMS_TEST))
    return (to_clip, jnp.stack(indexes, axis=0))

if __name__ == "__main__":
    import jax
    _d = setup_inputs()
    print(jax.jit(kernel)(*tuple(_d.values())))

</pallas_src>

<mosaic_0001>
#map = affine_map<(d0, d1) -> (0)>
#map1 = affine_map<(d0, d1) -> (0, 0)>
module attributes {stable_mosaic.version = 14 : i64} {
  func.func @_sc_kernel(%arg0: i32, %arg1: i32, %arg2: memref<80000xf32, #tpu.memory_space<hbm>>, %arg3: memref<4x5008xi32, #tpu.memory_space<hbm>>, %arg4: memref<16xf32, #tpu.memory_space<hbm>>, %arg5: memref<16xf32, #tpu.memory_space<hbm>>, %arg6: memref<80000xf32, #tpu.memory_space<hbm>>, %arg7: memref<4x320xi32, #tpu.memory_space<hbm>>, %arg8: memref<20032xf32, #tpu.memory_space<vmem>>, %arg9: memref<5008xi32, #tpu.memory_space<vmem>>, %arg10: memref<5008xf32, #tpu.memory_space<vmem>>, %arg11: memref<5008xf32, #tpu.memory_space<vmem>>, %arg12: memref<5008xf32, #tpu.memory_space<vmem>>, %arg13: memref<5008xf32, #tpu.memory_space<vmem>>, %arg14: memref<5008xf32, #tpu.memory_space<vmem>>, %arg15: memref<320xf32, #tpu.memory_space<vmem>>, %arg16: memref<320xf32, #tpu.memory_space<vmem>>, %arg17: memref<320xf32, #tpu.memory_space<vmem>>, %arg18: memref<320xf32, #tpu.memory_space<vmem>>, %arg19: memref<320xf32, #tpu.memory_space<vmem>>, %arg20: memref<320xi32, #tpu.memory_space<vmem>>, %arg21: memref<16xf32, #tpu.memory_space<vmem>>, %arg22: memref<16xf32, #tpu.memory_space<vmem>>, %arg23: memref<6720xf32, #tpu.memory_space<vmem>>) attributes {dimension_semantics = [#tpu.dimension_semantics<core_parallel>, #tpu.dimension_semantics<subcore_parallel>], iteration_bounds = array<i64: 1, 16>, scalar_prefetch = 0 : i64, scratch_operands = 16 : i64, tpu.core_type = #tpu.core_type<sc_vector_subcore>, window_params = [{transform_indices = #map}, {transform_indices = #map1}, {transform_indices = #map}, {transform_indices = #map}, {transform_indices = #map}, {transform_indices = #map1}]} {
    %mul3A = arith.constant 1 : i32
    %mul3A_0 = arith.muli %arg1, %mul3A : i32
    %add3A = arith.addi %mul3A_0, %arg0 : i32
    "tpu.region"() ({
      %run_scoped3A = tpu.sem_alloc : memref<!tpu.dma_semaphore, #tpu.memory_space<semaphore_mem>>
      tpu.enqueue_dma source(%arg4 : memref<16xf32, #tpu.memory_space<hbm>>) target(%arg21 : memref<16xf32, #tpu.memory_space<vmem>>) target_semaphore(%run_scoped3A : memref<!tpu.dma_semaphore, #tpu.memory_space<semaphore_mem>>)
      tpu.wait_dma2 semaphore(%run_scoped3A : memref<!tpu.dma_semaphore, #tpu.memory_space<semaphore_mem>>) src(%arg4 : memref<16xf32, #tpu.memory_space<hbm>>) dst(%arg21 : memref<16xf32, #tpu.memory_space<vmem>>)
      tpu.yield
    }) : () -> ()
    "tpu.region"() ({
      %run_scoped3A = tpu.sem_alloc : memref<!tpu.dma_semaphore, #tpu.memory_space<semaphore_mem>>
      tpu.enqueue_dma source(%arg5 : memref<16xf32, #tpu.memory_space<hbm>>) target(%arg22 : memref<16xf32, #tpu.memory_space<vmem>>) target_semaphore(%run_scoped3A : memref<!tpu.dma_semaphore, #tpu.memory_space<semaphore_mem>>)
      tpu.wait_dma2 semaphore(%run_scoped3A : memref<!tpu.dma_semaphore, #tpu.memory_space<semaphore_mem>>) src(%arg5 : memref<16xf32, #tpu.memory_space<hbm>>) dst(%arg22 : memref<16xf32, #tpu.memory_space<vmem>>)
      tpu.yield
    }) : () -> ()
    %get3A = arith.constant 0 : index
    %get3A_1 = tpu.vector_load %arg21[%get3A] {strides = array<i32>} : memref<16xf32, #tpu.memory_space<vmem>>, vector<16xf32>,
    %get3A_2 = arith.constant 0 : index
    %get3A_3 = tpu.vector_load %arg22[%get3A_2] {strides = array<i32>} : memref<16xf32, #tpu.memory_space<vmem>>, vector<16xf32>,
    %lt3A = arith.constant 4 : i32
    %lt3A_4 = arith.cmpi slt, %add3A, %lt3A : i32
    %convert_element_type3A = arith.extui %lt3A_4 : i1 to i32
    %cond3A = arith.constant 0 : i32
    %cond3A_5 = arith.cmpi ne, %convert_element_type3A, %cond3A : i32
    scf.if %cond3A_5 {
      %mul3A_17 = arith.constant 5000 : i32
      %mul3A_18 = arith.muli %add3A, %mul3A_17 : i32
      %mul3A_19 = arith.constant 4 : i32
      %mul3A_20 = arith.muli %mul3A_18, %mul3A_19 : i32
      "tpu.region"() ({
        %run_scoped3A = tpu.sem_alloc : memref<!tpu.dma_semaphore, #tpu.memory_space<semaphore_mem>>
        %dma_start3A = arith.constant 0 : i32
        %dma_start3A_42 = tpu.memref_slice %arg8[%dma_start3A] : memref<20032xf32, #tpu.memory_space<vmem>> -> memref<20000xf32, #tpu.memory_space<vmem>>
        %dma_start3A_43 = tpu.memref_slice %arg2[%mul3A_20] : memref<80000xf32, #tpu.memory_space<hbm>> -> memref<20000xf32, #tpu.memory_space<hbm>>
        %dma_start3A_44 = arith.constant 0 : i32
        %dma_start3A_45 = tpu.memref_slice %arg8[%dma_start3A_44] : memref<20032xf32, #tpu.memory_space<vmem>> -> memref<20000xf32, #tpu.memory_space<vmem>>
        %dma_start3A_46 = tpu.memref_slice %arg2[%mul3A_20] : memref<80000xf32, #tpu.memory_space<hbm>> -> memref<20000xf32, #tpu.memory_space<hbm>>
        tpu.enqueue_dma source(%dma_start3A_46 : memref<20000xf32, #tpu.memory_space<hbm>>) target(%dma_start3A_45 : memref<20000xf32, #tpu.memory_space<vmem>>) target_semaphore(%run_scoped3A : memref<!tpu.dma_semaphore, #tpu.memory_space<semaphore_mem>>)
        %dma_wait3A = arith.constant 0 : i32
        %dma_wait3A_47 = tpu.memref_slice %arg8[%dma_wait3A] : memref<20032xf32, #tpu.memory_space<vmem>> -> memref<20000xf32, #tpu.memory_space<vmem>>
        %dma_wait3A_48 = tpu.memref_slice %arg2[%mul3A_20] : memref<80000xf32, #tpu.memory_space<hbm>> -> memref<20000xf32, #tpu.memory_space<hbm>>
        %dma_wait3A_49 = arith.constant 0 : i32
        %dma_wait3A_50 = tpu.memref_slice %arg8[%dma_wait3A_49] : memref<20032xf32, #tpu.memory_space<vmem>> -> memref<20000xf32, #tpu.memory_space<vmem>>
        %dma_wait3A_51 = tpu.memref_slice %arg2[%mul3A_20] : memref<80000xf32, #tpu.memory_space<hbm>> -> memref<20000xf32, #tpu.memory_space<hbm>>
        tpu.wait_dma2 semaphore(%run_scoped3A : memref<!tpu.dma_semaphore, #tpu.memory_space<semaphore_mem>>) src(%dma_wait3A_51 : memref<20000xf32, #tpu.memory_space<hbm>>) dst(%dma_wait3A_50 : memref<20000xf32, #tpu.memory_space<vmem>>)
        tpu.yield
      }) : () -> ()
      "tpu.region"() ({
        %run_scoped3A = tpu.sem_alloc : memref<!tpu.dma_semaphore, #tpu.memory_space<semaphore_mem>>
        %dma_start3A = arith.constant 0 : i32
        %dma_start3A_42 = tpu.memref_slice %arg3[%add3A, %dma_start3A] : memref<4x5008xi32, #tpu.memory_space<hbm>> -> memref<1x5008xi32, #tpu.memory_space<hbm>>
        %dma_start3A_43 = tpu.memref_squeeze %dma_start3A_42 : memref<1x5008xi32, #tpu.memory_space<hbm>> -> memref<5008xi32, #tpu.memory_space<hbm>>
        %dma_start3A_44 = arith.constant 0 : i32
        %dma_start3A_45 = tpu.memref_slice %arg3[%add3A, %dma_start3A_44] : memref<4x5008xi32, #tpu.memory_space<hbm>> -> memref<1x5008xi32, #tpu.memory_space<hbm>>
        %dma_start3A_46 = tpu.memref_squeeze %dma_start3A_45 : memref<1x5008xi32, #tpu.memory_space<hbm>> -> memref<5008xi32, #tpu.memory_space<hbm>>
        tpu.enqueue_dma source(%dma_start3A_46 : memref<5008xi32, #tpu.memory_space<hbm>>) target(%arg9 : memref<5008xi32, #tpu.memory_space<vmem>>) target_semaphore(%run_scoped3A : memref<!tpu.dma_semaphore, #tpu.memory_space<semaphore_mem>>)
        %dma_wait3A = arith.constant 0 : i32
        %dma_wait3A_47 = tpu.memref_slice %arg3[%add3A, %dma_wait3A] : memref<4x5008xi32, #tpu.memory_space<hbm>> -> memref<1x5008xi32, #tpu.memory_space<hbm>>
        %dma_wait3A_48 = tpu.memref_squeeze %dma_wait3A_47 : memref<1x5008xi32, #tpu.memory_space<hbm>> -> memref<5008xi32, #tpu.memory_space<hbm>>
        %dma_wait3A_49 = arith.constant 0 : i32
        %dma_wait3A_50 = tpu.memref_slice %arg3[%add3A, %dma_wait3A_49] : memref<4x5008xi32, #tpu.memory_space<hbm>> -> memref<1x5008xi32, #tpu.memory_space<hbm>>
        %dma_wait3A_51 = tpu.memref_squeeze %dma_wait3A_50 : memref<1x5008xi32, #tpu.memory_space<hbm>> -> memref<5008xi32, #tpu.memory_space<hbm>>
        tpu.wait_dma2 semaphore(%run_scoped3A : memref<!tpu.dma_semaphore, #tpu.memory_space<semaphore_mem>>) src(%dma_wait3A_51 : memref<5008xi32, #tpu.memory_space<hbm>>) dst(%arg9 : memref<5008xi32, #tpu.memory_space<vmem>>)
        tpu.yield
      }) : () -> ()
      %broadcast_in_dim3A = arith.constant 0 : i32
      %broadcast_in_dim3A_21 = vector.broadcast %broadcast_in_dim3A : i32 to vector<16xi32>
      %broadcast_in_dim3A_22 = arith.constant 0.000000e+00 : f32
      %broadcast_in_dim3A_23 = vector.broadcast %broadcast_in_dim3A_22 : f32 to vector<16xf32>
      %scan3A = arith.constant 0 : i32
      %scan3A_24 = arith.constant 0 : i32
      %scan3A_25 = arith.constant 313 : i32
      %scan3A_26 = arith.addi %scan3A_24, %scan3A_25 : i32
      %scan3A_27 = arith.constant 1 : i32
      %scan3A_28 = scf.for %scan3A_42 = %scan3A_24 to %scan3A_26 step %scan3A_27 iter_args(%scan3A_43 = %scan3A) -> (i32)  : i32 {
        %mul3A_44 = arith.constant 16 : i32
        %mul3A_45 = arith.muli %scan3A_42, %mul3A_44 : i32
        %get3A_46 = arith.index_cast %mul3A_45 : i32 to index
        %get3A_47 = tpu.vector_load %arg9[%get3A_46] {strides = array<i32>} : memref<5008xi32, #tpu.memory_space<vmem>>, vector<16xi32>,
        %mul3A_48 = arith.constant 4 : i32
        %mul3A_49 = vector.broadcast %mul3A_48 : i32 to vector<16xi32>
        %mul3A_50 = arith.muli %get3A_47, %mul3A_49 : vector<16xi32>
        %gather3A = tpu.vector_load_idx %arg8[%mul3A_50] : memref<20032xf32, #tpu.memory_space<vmem>>[vector<16xi32>], vector<16xf32>,
        %add3A_51 = arith.constant 1 : i32
        %add3A_52 = vector.broadcast %add3A_51 : i32 to vector<16xi32>
        %add3A_53 = arith.addi %mul3A_50, %add3A_52 : vector<16xi32>
        %gather3A_54 = tpu.vector_load_idx %arg8[%add3A_53] : memref<20032xf32, #tpu.memory_space<vmem>>[vector<16xi32>], vector<16xf32>,
        %add3A_55 = arith.constant 2 : i32
        %add3A_56 = vector.broadcast %add3A_55 : i32 to vector<16xi32>
        %add3A_57 = arith.addi %mul3A_50, %add3A_56 : vector<16xi32>
        %gather3A_58 = tpu.vector_load_idx %arg8[%add3A_57] : memref<20032xf32, #tpu.memory_space<vmem>>[vector<16xi32>], vector<16xf32>,
        %add3A_59 = arith.constant 3 : i32
        %add3A_60 = vector.broadcast %add3A_59 : i32 to vector<16xi32>
        %add3A_61 = arith.addi %mul3A_50, %add3A_60 : vector<16xi32>
        %gather3A_62 = tpu.vector_load_idx %arg8[%add3A_61] : memref<20032xf32, #tpu.memory_space<vmem>>[vector<16xi32>], vector<16xf32>,
        %mul3A_63 = arith.constant 5.000000e-01 : f32
        %mul3A_64 = vector.broadcast %mul3A_63 : f32 to vector<16xf32>
        %mul3A_65 = arith.mulf %mul3A_64, %gather3A_58 : vector<16xf32>
        %sub3A_66 = arith.subf %gather3A, %mul3A_65 : vector<16xf32>
        %max3A = arith.constant 0.000000e+00 : f32
        %max3A_67 = vector.broadcast %max3A : f32 to vector<16xf32>
        %max3A_68 = arith.maximumf %sub3A_66, %max3A_67 : vector<16xf32>
        %min3A = arith.minimumf %max3A_68, %get3A_1 : vector<16xf32>
        %mul3A_69 = arith.constant 5.000000e-01 : f32
        %mul3A_70 = vector.broadcast %mul3A_69 : f32 to vector<16xf32>
        %mul3A_71 = arith.mulf %mul3A_70, %gather3A_62 : vector<16xf32>
        %sub3A_72 = arith.subf %gather3A_54, %mul3A_71 : vector<16xf32>
        %max3A_73 = arith.constant 0.000000e+00 : f32
        %max3A_74 = vector.broadcast %max3A_73 : f32 to vector<16xf32>
        %max3A_75 = arith.maximumf %sub3A_72, %max3A_74 : vector<16xf32>
        %min3A_76 = arith.minimumf %max3A_75, %get3A_3 : vector<16xf32>
        %mul3A_77 = arith.constant 5.000000e-01 : f32
        %mul3A_78 = vector.broadcast %mul3A_77 : f32 to vector<16xf32>
        %mul3A_79 = arith.mulf %mul3A_78, %gather3A_58 : vector<16xf32>
        %add3A_80 = arith.addf %gather3A, %mul3A_79 : vector<16xf32>
        %max3A_81 = arith.constant 0.000000e+00 : f32
        %max3A_82 = vector.broadcast %max3A_81 : f32 to vector<16xf32>
        %max3A_83 = arith.maximumf %add3A_80, %max3A_82 : vector<16xf32>
        %min3A_84 = arith.minimumf %max3A_83, %get3A_1 : vector<16xf32>
        %mul3A_85 = arith.constant 5.000000e-01 : f32
        %mul3A_86 = vector.broadcast %mul3A_85 : f32 to vector<16xf32>
        %mul3A_87 = arith.mulf %mul3A_86, %gather3A_62 : vector<16xf32>
        %add3A_88 = arith.addf %gather3A_54, %mul3A_87 : vector<16xf32>
        %max3A_89 = arith.constant 0.000000e+00 : f32
        %max3A_90 = vector.broadcast %max3A_89 : f32 to vector<16xf32>
        %max3A_91 = arith.maximumf %add3A_88, %max3A_90 : vector<16xf32>
        %min3A_92 = arith.minimumf %max3A_91, %get3A_3 : vector<16xf32>
        %swap3A = arith.index_cast %mul3A_45 : i32 to index
        %swap3A_93 = tpu.vector_load %arg10[%swap3A] {strides = array<i32>} : memref<5008xf32, #tpu.memory_space<vmem>>, vector<16xf32>,
        tpu.vector_store %arg10[%swap3A], %min3A {strides = array<i32>} : memref<5008xf32, #tpu.memory_space<vmem>>, vector<16xf32>,
        %swap3A_94 = arith.index_cast %mul3A_45 : i32 to index
        %swap3A_95 = tpu.vector_load %arg11[%swap3A_94] {strides = array<i32>} : memref<5008xf32, #tpu.memory_space<vmem>>, vector<16xf32>,
        tpu.vector_store %arg11[%swap3A_94], %min3A_76 {strides = array<i32>} : memref<5008xf32, #tpu.memory_space<vmem>>, vector<16xf32>,
        %swap3A_96 = arith.index_cast %mul3A_45 : i32 to index
        %swap3A_97 = tpu.vector_load %arg12[%swap3A_96] {strides = array<i32>} : memref<5008xf32, #tpu.memory_space<vmem>>, vector<16xf32>,
        tpu.vector_store %arg12[%swap3A_96], %min3A_84 {strides = array<i32>} : memref<5008xf32, #tpu.memory_space<vmem>>, vector<16xf32>,
        %swap3A_98 = arith.index_cast %mul3A_45 : i32 to index
        %swap3A_99 = tpu.vector_load %arg13[%swap3A_98] {strides = array<i32>} : memref<5008xf32, #tpu.memory_space<vmem>>, vector<16xf32>,
        tpu.vector_store %arg13[%swap3A_98], %min3A_92 {strides = array<i32>} : memref<5008xf32, #tpu.memory_space<vmem>>, vector<16xf32>,
        %sub3A_100 = arith.subf %min3A_84, %min3A : vector<16xf32>
        %sub3A_101 = arith.subf %min3A_92, %min3A_76 : vector<16xf32>
        %mul3A_102 = arith.mulf %sub3A_100, %sub3A_101 : vector<16xf32>
        %swap3A_103 = arith.index_cast %mul3A_45 : i32 to index
        %swap3A_104 = tpu.vector_load %arg14[%swap3A_103] {strides = array<i32>} : memref<5008xf32, #tpu.memory_space<vmem>>, vector<16xf32>,
        tpu.vector_store %arg14[%swap3A_103], %mul3A_102 {strides = array<i32>} : memref<5008xf32, #tpu.memory_space<vmem>>, vector<16xf32>,
        %scan3A_105 = arith.constant 0 : i32
        scf.yield %scan3A_105 : i32
      }
      %scan3A_29 = arith.constant 313 : i32
      %scan3A_30 = arith.constant 0 : i32
      %scan3A_31 = arith.constant 0 : i32
      %scan3A_32 = arith.constant 20 : i32
      %scan3A_33 = arith.addi %scan3A_31, %scan3A_32 : i32
      %scan3A_34 = arith.constant 1 : i32
      %scan3A_35 = scf.for %scan3A_42 = %scan3A_31 to %scan3A_33 step %scan3A_34 iter_args(%scan3A_43 = %scan3A_30) -> (i32)  : i32 {
        %mul3A_44 = arith.constant 16 : i32
        %mul3A_45 = arith.muli %scan3A_42, %mul3A_44 : i32
        %swap3A = arith.index_cast %mul3A_45 : i32 to index
        %swap3A_46 = tpu.vector_load %arg15[%swap3A] {strides = array<i32>} : memref<320xf32, #tpu.memory_space<vmem>>, vector<16xf32>,
        tpu.vector_store %arg15[%swap3A], %broadcast_in_dim3A_23 {strides = array<i32>} : memref<320xf32, #tpu.memory_space<vmem>>, vector<16xf32>,
        %swap3A_47 = arith.index_cast %mul3A_45 : i32 to index
        %swap3A_48 = tpu.vector_load %arg16[%swap3A_47] {strides = array<i32>} : memref<320xf32, #tpu.memory_space<vmem>>, vector<16xf32>,
        tpu.vector_store %arg16[%swap3A_47], %broadcast_in_dim3A_23 {strides = array<i32>} : memref<320xf32, #tpu.memory_space<vmem>>, vector<16xf32>,
        %swap3A_49 = arith.index_cast %mul3A_45 : i32 to index
        %swap3A_50 = tpu.vector_load %arg17[%swap3A_49] {strides = array<i32>} : memref<320xf32, #tpu.memory_space<vmem>>, vector<16xf32>,
        tpu.vector_store %arg17[%swap3A_49], %broadcast_in_dim3A_23 {strides = array<i32>} : memref<320xf32, #tpu.memory_space<vmem>>, vector<16xf32>,
        %swap3A_51 = arith.index_cast %mul3A_45 : i32 to index
        %swap3A_52 = tpu.vector_load %arg18[%swap3A_51] {strides = array<i32>} : memref<320xf32, #tpu.memory_space<vmem>>, vector<16xf32>,
        tpu.vector_store %arg18[%swap3A_51], %broadcast_in_dim3A_23 {strides = array<i32>} : memref<320xf32, #tpu.memory_space<vmem>>, vector<16xf32>,
        %swap3A_53 = arith.index_cast %mul3A_45 : i32 to index
        %swap3A_54 = tpu.vector_load %arg19[%swap3A_53] {strides = array<i32>} : memref<320xf32, #tpu.memory_space<vmem>>, vector<16xf32>,
        tpu.vector_store %arg19[%swap3A_53], %broadcast_in_dim3A_23 {strides = array<i32>} : memref<320xf32, #tpu.memory_space<vmem>>, vector<16xf32>,
        %sub3A_55 = arith.constant 1 : i32
        %sub3A_56 = vector.broadcast %sub3A_55 : i32 to vector<16xi32>
        %sub3A_57 = arith.subi %broadcast_in_dim3A_21, %sub3A_56 : vector<16xi32>
        %swap3A_58 = arith.index_cast %mul3A_45 : i32 to index
        %swap3A_59 = tpu.vector_load %arg20[%swap3A_58] {strides = array<i32>} : memref<320xi32, #tpu.memory_space<vmem>>, vector<16xi32>,
        tpu.vector_store %arg20[%swap3A_58], %sub3A_57 {strides = array<i32>} : memref<320xi32, #tpu.memory_space<vmem>>, vector<16xi32>,
        %scan3A_60 = arith.constant 0 : i32
        scf.yield %scan3A_60 : i32
      }
      %scan3A_36 = arith.constant 20 : i32
      %iota3A = tpu.iota {dimensions = array<i32: 0>} : vector<16xi32>
      %eq3A_37 = arith.constant 0 : i32
      %eq3A_38 = vector.broadcast %eq3A_37 : i32 to vector<16xi32>
      %eq3A_39 = arith.cmpi eq, %iota3A, %eq3A_38 : vector<16xi32>
      %while3A = arith.constant 0 : i32
      %while3A_40 = arith.constant 0 : i32
      %while3A_41:2 = scf.while (%while3A_42 = %while3A, %while3A_43 = %while3A_40) : (i32, i32) -> (i32, i32) {
        %lt3A_44 = arith.constant 5000 : i32
        %lt3A_45 = arith.cmpi slt, %while3A_42, %lt3A_44 : i32
        %lt3A_46 = arith.constant 300 : i32
        %lt3A_47 = arith.cmpi slt, %while3A_43, %lt3A_46 : i32
        %and3A_48 = arith.andi %lt3A_45, %lt3A_47 : i1
        scf.condition(%and3A_48) %while3A_42, %while3A_43 : i32, i32
      } do {
      ^bb0(%while3A_42: i32, %while3A_43: i32):
        %add3A_44 = vector.broadcast %while3A_42 : i32 to vector<16xi32>
        %add3A_45 = arith.addi %broadcast_in_dim3A_21, %add3A_44 : vector<16xi32>
        %add3A_46 = arith.constant 1 : i32
        %add3A_47 = vector.broadcast %add3A_46 : i32 to vector<16xi32>
        %add3A_48 = arith.addi %add3A_45, %add3A_47 : vector<16xi32>
        %gather3A = tpu.vector_load_idx %arg10[%add3A_45] : memref<5008xf32, #tpu.memory_space<vmem>>[vector<16xi32>], vector<16xf32>,
        %gather3A_49 = tpu.vector_load_idx %arg11[%add3A_45] : memref<5008xf32, #tpu.memory_space<vmem>>[vector<16xi32>], vector<16xf32>,
        %gather3A_50 = tpu.vector_load_idx %arg12[%add3A_45] : memref<5008xf32, #tpu.memory_space<vmem>>[vector<16xi32>], vector<16xf32>,
        %gather3A_51 = tpu.vector_load_idx %arg13[%add3A_45] : memref<5008xf32, #tpu.memory_space<vmem>>[vector<16xi32>], vector<16xf32>,
        %gather3A_52 = tpu.vector_load_idx %arg14[%add3A_45] : memref<5008xf32, #tpu.memory_space<vmem>>[vector<16xi32>], vector<16xf32>,
        %gather3A_53 = tpu.vector_load_idx %arg10[%add3A_48] : memref<5008xf32, #tpu.memory_space<vmem>>[vector<16xi32>], vector<16xf32>,
        %gather3A_54 = tpu.vector_load_idx %arg11[%add3A_48] : memref<5008xf32, #tpu.memory_space<vmem>>[vector<16xi32>], vector<16xf32>,
        %gather3A_55 = tpu.vector_load_idx %arg12[%add3A_48] : memref<5008xf32, #tpu.memory_space<vmem>>[vector<16xi32>], vector<16xf32>,
        %gather3A_56 = tpu.vector_load_idx %arg13[%add3A_48] : memref<5008xf32, #tpu.memory_space<vmem>>[vector<16xi32>], vector<16xf32>,
        %gather3A_57 = tpu.vector_load_idx %arg14[%add3A_48] : memref<5008xf32, #tpu.memory_space<vmem>>[vector<16xi32>], vector<16xf32>,
        %add3A_58 = arith.constant 15 : i32
        %add3A_59 = arith.addi %while3A_43, %add3A_58 : i32
        %jit3A = arith.constant 16 : i32
        %div3A = arith.divsi %add3A_59, %jit3A : i32
        %sign3A = arith.constant 0 : i32
        %sign3A_60 = arith.cmpi sgt, %add3A_59, %sign3A : i32
        %sign3A_61 = arith.extui %sign3A_60 : i1 to i32
        %sign3A_62 = arith.constant 0 : i32
        %sign3A_63 = arith.cmpi slt, %add3A_59, %sign3A_62 : i32
        %sign3A_64 = arith.extui %sign3A_63 : i1 to i32
        %sign3A_65 = arith.subi %sign3A_61, %sign3A_64 : i32
        %sign3A_66 = arith.constant 0 : i32
        %sign3A_67 = arith.cmpi sgt, %jit3A, %sign3A_66 : i32
        %sign3A_68 = arith.extui %sign3A_67 : i1 to i32
        %sign3A_69 = arith.constant 0 : i32
        %sign3A_70 = arith.cmpi slt, %jit3A, %sign3A_69 : i32
        %sign3A_71 = arith.extui %sign3A_70 : i1 to i32
        %sign3A_72 = arith.subi %sign3A_68, %sign3A_71 : i32
        %ne3A = arith.cmpi ne, %sign3A_65, %sign3A_72 : i32
        %rem3A = arith.remsi %add3A_59, %jit3A : i32
        %ne3A_73 = arith.constant 0 : i32
        %ne3A_74 = arith.cmpi ne, %rem3A, %ne3A_73 : i32
        %and3A_75 = arith.andi %ne3A, %ne3A_74 : i1
        %sub3A_76 = arith.constant 1 : i32
        %sub3A_77 = arith.subi %div3A, %sub3A_76 : i32
        %select_n3A = arith.select %and3A_75, %sub3A_77, %div3A : i32
        %broadcast_in_dim3A_78 = arith.constant false
        %broadcast_in_dim3A_79 = vector.broadcast %broadcast_in_dim3A_78 : i1 to vector<16xi1>
        %while3A_80 = arith.constant 0 : i32
        %while3A_81 = arith.subi %select_n3A, %while3A_80 : i32
        %while3A_82 = arith.addi %while3A_80, %while3A_81 : i32
        %while3A_83 = arith.constant 1 : i32
        %while3A_84 = arith.divsi %while3A_81, %while3A_83 : i32
        %while3A_85 = arith.muli %while3A_84, %while3A_83 : i32
        %while3A_86 = arith.addi %while3A_80, %while3A_85 : i32
        %while3A_87 = arith.constant 1 : i32
        %while3A_88:2 = scf.for %while3A_166 = %while3A_80 to %while3A_86 step %while3A_87 iter_args(%while3A_167 = %broadcast_in_dim3A_79, %while3A_168 = %broadcast_in_dim3A_79) -> (vector<16xi1>, vector<16xi1>)  : i32 {
          %mul3A_169 = arith.constant 16 : i32
          %mul3A_170 = arith.muli %while3A_166, %mul3A_169 : i32
          %get3A_171 = arith.index_cast %mul3A_170 : i32 to index
          %get3A_172 = tpu.vector_load %arg15[%get3A_171] {strides = array<i32>} : memref<320xf32, #tpu.memory_space<vmem>>, vector<16xf32>,
          %get3A_173 = arith.index_cast %mul3A_170 : i32 to index
          %get3A_174 = tpu.vector_load %arg16[%get3A_173] {strides = array<i32>} : memref<320xf32, #tpu.memory_space<vmem>>, vector<16xf32>,
          %get3A_175 = arith.index_cast %mul3A_170 : i32 to index
          %get3A_176 = tpu.vector_load %arg17[%get3A_175] {strides = array<i32>} : memref<320xf32, #tpu.memory_space<vmem>>, vector<16xf32>,
          %get3A_177 = arith.index_cast %mul3A_170 : i32 to index
          %get3A_178 = tpu.vector_load %arg18[%get3A_177] {strides = array<i32>} : memref<320xf32, #tpu.memory_space<vmem>>, vector<16xf32>,
          %get3A_179 = arith.index_cast %mul3A_170 : i32 to index
          %get3A_180 = tpu.vector_load %arg19[%get3A_179] {strides = array<i32>} : memref<320xf32, #tpu.memory_space<vmem>>, vector<16xf32>,
          %min3A_181 = arith.minimumf %gather3A_50, %get3A_176 : vector<16xf32>
          %max3A_182 = arith.maximumf %gather3A, %get3A_172 : vector<16xf32>
          %sub3A_183 = arith.subf %min3A_181, %max3A_182 : vector<16xf32>
          %max3A_184 = arith.constant 0.000000e+00 : f32
          %max3A_185 = vector.broadcast %max3A_184 : f32 to vector<16xf32>
          %max3A_186 = arith.maximumf %sub3A_183, %max3A_185 : vector<16xf32>
          %min3A_187 = arith.minimumf %gather3A_51, %get3A_178 : vector<16xf32>
          %max3A_188 = arith.maximumf %gather3A_49, %get3A_174 : vector<16xf32>
          %sub3A_189 = arith.subf %min3A_187, %max3A_188 : vector<16xf32>
          %max3A_190 = arith.constant 0.000000e+00 : f32
          %max3A_191 = vector.broadcast %max3A_190 : f32 to vector<16xf32>
          %max3A_192 = arith.maximumf %sub3A_189, %max3A_191 : vector<16xf32>
          %mul3A_193 = arith.mulf %max3A_186, %max3A_192 : vector<16xf32>
          %add3A_194 = arith.addf %gather3A_52, %get3A_180 : vector<16xf32>
          %sub3A_195 = arith.subf %add3A_194, %mul3A_193 : vector<16xf32>
          %add3A_196 = arith.constant 9.99999971E-10 : f32
          %add3A_197 = vector.broadcast %add3A_196 : f32 to vector<16xf32>
          %add3A_198 = arith.addf %sub3A_195, %add3A_197 : vector<16xf32>
          %mul3A_199 = arith.constant 0.699999988 : f32
          %mul3A_200 = vector.broadcast %mul3A_199 : f32 to vector<16xf32>
          %mul3A_201 = arith.mulf %mul3A_200, %add3A_198 : vector<16xf32>
          %gt3A_202 = arith.cmpf ogt, %mul3A_193, %mul3A_201 : vector<16xf32>
          %min3A_203 = arith.minimumf %gather3A_55, %get3A_176 : vector<16xf32>
          %max3A_204 = arith.maximumf %gather3A_53, %get3A_172 : vector<16xf32>
          %sub3A_205 = arith.subf %min3A_203, %max3A_204 : vector<16xf32>
          %max3A_206 = arith.constant 0.000000e+00 : f32
          %max3A_207 = vector.broadcast %max3A_206 : f32 to vector<16xf32>
          %max3A_208 = arith.maximumf %sub3A_205, %max3A_207 : vector<16xf32>
          %min3A_209 = arith.minimumf %gather3A_56, %get3A_178 : vector<16xf32>
          %max3A_210 = arith.maximumf %gather3A_54, %get3A_174 : vector<16xf32>
          %sub3A_211 = arith.subf %min3A_209, %max3A_210 : vector<16xf32>
          %max3A_212 = arith.constant 0.000000e+00 : f32
          %max3A_213 = vector.broadcast %max3A_212 : f32 to vector<16xf32>
          %max3A_214 = arith.maximumf %sub3A_211, %max3A_213 : vector<16xf32>
          %mul3A_215 = arith.mulf %max3A_208, %max3A_214 : vector<16xf32>
          %add3A_216 = arith.addf %gather3A_57, %get3A_180 : vector<16xf32>
          %sub3A_217 = arith.subf %add3A_216, %mul3A_215 : vector<16xf32>
          %add3A_218 = arith.constant 9.99999971E-10 : f32
          %add3A_219 = vector.broadcast %add3A_218 : f32 to vector<16xf32>
          %add3A_220 = arith.addf %sub3A_217, %add3A_219 : vector<16xf32>
          %mul3A_221 = arith.constant 0.699999988 : f32
          %mul3A_222 = vector.broadcast %mul3A_221 : f32 to vector<16xf32>
          %mul3A_223 = arith.mulf %mul3A_222, %add3A_220 : vector<16xf32>
          %gt3A_224 = arith.cmpf ogt, %mul3A_215, %mul3A_223 : vector<16xf32>
          %or3A_225 = arith.ori %while3A_167, %gt3A_202 : vector<16xi1>
          %or3A_226 = arith.ori %while3A_168, %gt3A_224 : vector<16xi1>
          scf.yield %or3A_225, %or3A_226 : vector<16xi1>, vector<16xi1>
        }
        %while3A_89 = arith.constant 1 : i32
        %while3A_90:2 = scf.for %while3A_166 = %while3A_86 to %while3A_82 step %while3A_89 iter_args(%while3A_167 = %while3A_88#0, %while3A_168 = %while3A_88#1) -> (vector<16xi1>, vector<16xi1>)  : i32 {
          %mul3A_169 = arith.constant 16 : i32
          %mul3A_170 = arith.muli %while3A_166, %mul3A_169 : i32
          %get3A_171 = arith.index_cast %mul3A_170 : i32 to index
          %get3A_172 = tpu.vector_load %arg15[%get3A_171] {strides = array<i32>} : memref<320xf32, #tpu.memory_space<vmem>>, vector<16xf32>,
          %get3A_173 = arith.index_cast %mul3A_170 : i32 to index
          %get3A_174 = tpu.vector_load %arg16[%get3A_173] {strides = array<i32>} : memref<320xf32, #tpu.memory_space<vmem>>, vector<16xf32>,
          %get3A_175 = arith.index_cast %mul3A_170 : i32 to index
          %get3A_176 = tpu.vector_load %arg17[%get3A_175] {strides = array<i32>} : memref<320xf32, #tpu.memory_space<vmem>>, vector<16xf32>,
          %get3A_177 = arith.index_cast %mul3A_170 : i32 to index
          %get3A_178 = tpu.vector_load %arg18[%get3A_177] {strides = array<i32>} : memref<320xf32, #tpu.memory_space<vmem>>, vector<16xf32>,
          %get3A_179 = arith.index_cast %mul3A_170 : i32 to index
          %get3A_180 = tpu.vector_load %arg19[%get3A_179] {strides = array<i32>} : memref<320xf32, #tpu.memory_space<vmem>>, vector<16xf32>,
          %min3A_181 = arith.minimumf %gather3A_50, %get3A_176 : vector<16xf32>
          %max3A_182 = arith.maximumf %gather3A, %get3A_172 : vector<16xf32>
          %sub3A_183 = arith.subf %min3A_181, %max3A_182 : vector<16xf32>
          %max3A_184 = arith.constant 0.000000e+00 : f32
          %max3A_185 = vector.broadcast %max3A_184 : f32 to vector<16xf32>
          %max3A_186 = arith.maximumf %sub3A_183, %max3A_185 : vector<16xf32>
          %min3A_187 = arith.minimumf %gather3A_51, %get3A_178 : vector<16xf32>
          %max3A_188 = arith.maximumf %gather3A_49, %get3A_174 : vector<16xf32>
          %sub3A_189 = arith.subf %min3A_187, %max3A_188 : vector<16xf32>
          %max3A_190 = arith.constant 0.000000e+00 : f32
          %max3A_191 = vector.broadcast %max3A_190 : f32 to vector<16xf32>
          %max3A_192 = arith.maximumf %sub3A_189, %max3A_191 : vector<16xf32>
          %mul3A_193 = arith.mulf %max3A_186, %max3A_192 : vector<16xf32>
          %add3A_194 = arith.addf %gather3A_52, %get3A_180 : vector<16xf32>
          %sub3A_195 = arith.subf %add3A_194, %mul3A_193 : vector<16xf32>
          %add3A_196 = arith.constant 9.99999971E-10 : f32
          %add3A_197 = vector.broadcast %add3A_196 : f32 to vector<16xf32>
          %add3A_198 = arith.addf %sub3A_195, %add3A_197 : vector<16xf32>
          %mul3A_199 = arith.constant 0.699999988 : f32
          %mul3A_200 = vector.broadcast %mul3A_199 : f32 to vector<16xf32>
          %mul3A_201 = arith.mulf %mul3A_200, %add3A_198 : vector<16xf32>
          %gt3A_202 = arith.cmpf ogt, %mul3A_193, %mul3A_201 : vector<16xf32>
          %min3A_203 = arith.minimumf %gather3A_55, %get3A_176 : vector<16xf32>
          %max3A_204 = arith.maximumf %gather3A_53, %get3A_172 : vector<16xf32>
          %sub3A_205 = arith.subf %min3A_203, %max3A_204 : vector<16xf32>
          %max3A_206 = arith.constant 0.000000e+00 : f32
          %max3A_207 = vector.broadcast %max3A_206 : f32 to vector<16xf32>
          %max3A_208 = arith.maximumf %sub3A_205, %max3A_207 : vector<16xf32>
          %min3A_209 = arith.minimumf %gather3A_56, %get3A_178 : vector<16xf32>
          %max3A_210 = arith.maximumf %gather3A_54, %get3A_174 : vector<16xf32>
          %sub3A_211 = arith.subf %min3A_209, %max3A_210 : vector<16xf32>
          %max3A_212 = arith.constant 0.000000e+00 : f32
          %max3A_213 = vector.broadcast %max3A_212 : f32 to vector<16xf32>
          %max3A_214 = arith.maximumf %sub3A_211, %max3A_213 : vector<16xf32>
          %mul3A_215 = arith.mulf %max3A_208, %max3A_214 : vector<16xf32>
          %add3A_216 = arith.addf %gather3A_57, %get3A_180 : vector<16xf32>
          %sub3A_217 = arith.subf %add3A_216, %mul3A_215 : vector<16xf32>
          %add3A_218 = arith.constant 9.99999971E-10 : f32
          %add3A_219 = vector.broadcast %add3A_218 : f32 to vector<16xf32>
          %add3A_220 = arith.addf %sub3A_217, %add3A_219 : vector<16xf32>
          %mul3A_221 = arith.constant 0.699999988 : f32
          %mul3A_222 = vector.broadcast %mul3A_221 : f32 to vector<16xf32>
          %mul3A_223 = arith.mulf %mul3A_222, %add3A_220 : vector<16xf32>
          %gt3A_224 = arith.cmpf ogt, %mul3A_215, %mul3A_223 : vector<16xf32>
          %or3A_225 = arith.ori %while3A_167, %gt3A_202 : vector<16xi1>
          %or3A_226 = arith.ori %while3A_168, %gt3A_224 : vector<16xi1>
          scf.yield %or3A_225, %or3A_226 : vector<16xi1>, vector<16xi1>
        }
        %min3A = arith.minimumf %gather3A_55, %gather3A_50 : vector<16xf32>
        %max3A = arith.maximumf %gather3A_53, %gather3A : vector<16xf32>
        %sub3A_91 = arith.subf %min3A, %max3A : vector<16xf32>
        %max3A_92 = arith.constant 0.000000e+00 : f32
        %max3A_93 = vector.broadcast %max3A_92 : f32 to vector<16xf32>
        %max3A_94 = arith.maximumf %sub3A_91, %max3A_93 : vector<16xf32>
        %min3A_95 = arith.minimumf %gather3A_56, %gather3A_51 : vector<16xf32>
        %max3A_96 = arith.maximumf %gather3A_54, %gather3A_49 : vector<16xf32>
        %sub3A_97 = arith.subf %min3A_95, %max3A_96 : vector<16xf32>
        %max3A_98 = arith.constant 0.000000e+00 : f32
        %max3A_99 = vector.broadcast %max3A_98 : f32 to vector<16xf32>
        %max3A_100 = arith.maximumf %sub3A_97, %max3A_99 : vector<16xf32>
        %mul3A_101 = arith.mulf %max3A_94, %max3A_100 : vector<16xf32>
        %add3A_102 = arith.addf %gather3A_57, %gather3A_52 : vector<16xf32>
        %sub3A_103 = arith.subf %add3A_102, %mul3A_101 : vector<16xf32>
        %add3A_104 = arith.constant 9.99999971E-10 : f32
        %add3A_105 = vector.broadcast %add3A_104 : f32 to vector<16xf32>
        %add3A_106 = arith.addf %sub3A_103, %add3A_105 : vector<16xf32>
        %mul3A_107 = arith.constant 0.699999988 : f32
        %mul3A_108 = vector.broadcast %mul3A_107 : f32 to vector<16xf32>
        %mul3A_109 = arith.mulf %mul3A_108, %add3A_106 : vector<16xf32>
        %gt3A = arith.cmpf ogt, %mul3A_101, %mul3A_109 : vector<16xf32>
        %reduce_or3A = arith.constant 1.000000e+00 : f32
        %reduce_or3A_110 = arith.constant 0.000000e+00 : f32
        %reduce_or3A_111 = vector.broadcast %reduce_or3A : f32 to vector<16xf32>
        %reduce_or3A_112 = vector.broadcast %reduce_or3A_110 : f32 to vector<16xf32>
        %reduce_or3A_113 = arith.select %while3A_90#0, %reduce_or3A_111, %reduce_or3A_112 : vector<16xi1>, vector<16xf32>
        %reduce_or3A_114 = arith.constant true
        %reduce_or3A_115 = vector.broadcast %reduce_or3A_114 : i1 to vector<16xi1>
        %reduce_or3A_116 = tpu.scan <max>, %reduce_or3A_113 masked %reduce_or3A_115 : vector<16xf32>, vector<16xi1> -> vector<16xf32>
        %reduce_or3A_117 = vector.extract %reduce_or3A_116[15] : f32 from vector<16xf32>
        %reduce_or3A_118 = arith.constant 0.000000e+00 : f32
        %reduce_or3A_119 = arith.cmpf ogt, %reduce_or3A_117, %reduce_or3A_118 : f32
        %not3A = arith.constant true
        %not3A_120 = arith.xori %reduce_or3A_119, %not3A : i1
        %reduce_or3A_121 = arith.constant 1.000000e+00 : f32
        %reduce_or3A_122 = arith.constant 0.000000e+00 : f32
        %reduce_or3A_123 = vector.broadcast %reduce_or3A_121 : f32 to vector<16xf32>
        %reduce_or3A_124 = vector.broadcast %reduce_or3A_122 : f32 to vector<16xf32>
        %reduce_or3A_125 = arith.select %while3A_90#1, %reduce_or3A_123, %reduce_or3A_124 : vector<16xi1>, vector<16xf32>
        %reduce_or3A_126 = arith.constant true
        %reduce_or3A_127 = vector.broadcast %reduce_or3A_126 : i1 to vector<16xi1>
        %reduce_or3A_128 = tpu.scan <max>, %reduce_or3A_125 masked %reduce_or3A_127 : vector<16xf32>, vector<16xi1> -> vector<16xf32>
        %reduce_or3A_129 = vector.extract %reduce_or3A_128[15] : f32 from vector<16xf32>
        %reduce_or3A_130 = arith.constant 0.000000e+00 : f32
        %reduce_or3A_131 = arith.cmpf ogt, %reduce_or3A_129, %reduce_or3A_130 : f32
        %reduce_or3A_132 = arith.constant 1.000000e+00 : f32
        %reduce_or3A_133 = arith.constant 0.000000e+00 : f32
        %reduce_or3A_134 = vector.broadcast %reduce_or3A_132 : f32 to vector<16xf32>
        %reduce_or3A_135 = vector.broadcast %reduce_or3A_133 : f32 to vector<16xf32>
        %reduce_or3A_136 = arith.select %gt3A, %reduce_or3A_134, %reduce_or3A_135 : vector<16xi1>, vector<16xf32>
        %reduce_or3A_137 = arith.constant true
        %reduce_or3A_138 = vector.broadcast %reduce_or3A_137 : i1 to vector<16xi1>
        %reduce_or3A_139 = tpu.scan <max>, %reduce_or3A_136 masked %reduce_or3A_138 : vector<16xf32>, vector<16xi1> -> vector<16xf32>
        %reduce_or3A_140 = vector.extract %reduce_or3A_139[15] : f32 from vector<16xf32>
        %reduce_or3A_141 = arith.constant 0.000000e+00 : f32
        %reduce_or3A_142 = arith.cmpf ogt, %reduce_or3A_140, %reduce_or3A_141 : f32
        %and3A_143 = arith.andi %not3A_120, %reduce_or3A_142 : i1
        %or3A = arith.ori %reduce_or3A_131, %and3A_143 : i1
        %not3A_144 = arith.constant true
        %not3A_145 = arith.xori %or3A, %not3A_144 : i1
        %and3A_146 = vector.broadcast %not3A_120 : i1 to vector<16xi1>
        %and3A_147 = arith.andi %eq3A_39, %and3A_146 : vector<16xi1>
        %add3A_148 = vector.broadcast %while3A_43 : i32 to vector<16xi32>
        %add3A_149 = arith.addi %broadcast_in_dim3A_21, %add3A_148 : vector<16xi32>
        tpu.vector_store_idx %arg15[%add3A_149], %gather3A masked %and3A_147 : memref<320xf32, #tpu.memory_space<vmem>>[vector<16xi32>], vector<16xf32>, vector<16xi1>
        tpu.vector_store_idx %arg16[%add3A_149], %gather3A_49 masked %and3A_147 : memref<320xf32, #tpu.memory_space<vmem>>[vector<16xi32>], vector<16xf32>, vector<16xi1>
        tpu.vector_store_idx %arg17[%add3A_149], %gather3A_50 masked %and3A_147 : memref<320xf32, #tpu.memory_space<vmem>>[vector<16xi32>], vector<16xf32>, vector<16xi1>
        tpu.vector_store_idx %arg18[%add3A_149], %gather3A_51 masked %and3A_147 : memref<320xf32, #tpu.memory_space<vmem>>[vector<16xi32>], vector<16xf32>, vector<16xi1>
        tpu.vector_store_idx %arg19[%add3A_149], %gather3A_52 masked %and3A_147 : memref<320xf32, #tpu.memory_space<vmem>>[vector<16xi32>], vector<16xf32>, vector<16xi1>
        %gather3A_150 = tpu.vector_load_idx %arg9[%add3A_45] : memref<5008xi32, #tpu.memory_space<vmem>>[vector<16xi32>], vector<16xi32>,
        tpu.vector_store_idx %arg20[%add3A_149], %gather3A_150 masked %and3A_147 : memref<320xi32, #tpu.memory_space<vmem>>[vector<16xi32>], vector<16xi32>, vector<16xi1>
        %jit3A_151 = arith.constant 1 : i32
        %jit3A_152 = arith.constant 0 : i32
        %select_n3A_153 = arith.select %not3A_120, %jit3A_151, %jit3A_152 : i32
        %add3A_154 = arith.addi %while3A_43, %select_n3A_153 : i32
        %and3A_155 = vector.broadcast %not3A_145 : i1 to vector<16xi1>
        %and3A_156 = arith.andi %eq3A_39, %and3A_155 : vector<16xi1>
        %add3A_157 = vector.broadcast %add3A_154 : i32 to vector<16xi32>
        %add3A_158 = arith.addi %broadcast_in_dim3A_21, %add3A_157 : vector<16xi32>
        tpu.vector_store_idx %arg15[%add3A_158], %gather3A_53 masked %and3A_156 : memref<320xf32, #tpu.memory_space<vmem>>[vector<16xi32>], vector<16xf32>, vector<16xi1>
        tpu.vector_store_idx %arg16[%add3A_158], %gather3A_54 masked %and3A_156 : memref<320xf32, #tpu.memory_space<vmem>>[vector<16xi32>], vector<16xf32>, vector<16xi1>
        tpu.vector_store_idx %arg17[%add3A_158], %gather3A_55 masked %and3A_156 : memref<320xf32, #tpu.memory_space<vmem>>[vector<16xi32>], vector<16xf32>, vector<16xi1>
        tpu.vector_store_idx %arg18[%add3A_158], %gather3A_56 masked %and3A_156 : memref<320xf32, #tpu.memory_space<vmem>>[vector<16xi32>], vector<16xf32>, vector<16xi1>
        tpu.vector_store_idx %arg19[%add3A_158], %gather3A_57 masked %and3A_156 : memref<320xf32, #tpu.memory_space<vmem>>[vector<16xi32>], vector<16xf32>, vector<16xi1>
        %gather3A_159 = tpu.vector_load_idx %arg9[%add3A_48] : memref<5008xi32, #tpu.memory_space<vmem>>[vector<16xi32>], vector<16xi32>,
        tpu.vector_store_idx %arg20[%add3A_158], %gather3A_159 masked %and3A_156 : memref<320xi32, #tpu.memory_space<vmem>>[vector<16xi32>], vector<16xi32>, vector<16xi1>
        %add3A_160 = arith.constant 2 : i32
        %add3A_161 = arith.addi %while3A_42, %add3A_160 : i32
        %jit3A_162 = arith.constant 1 : i32
        %jit3A_163 = arith.constant 0 : i32
        %select_n3A_164 = arith.select %not3A_145, %jit3A_162, %jit3A_163 : i32
        %add3A_165 = arith.addi %add3A_154, %select_n3A_164 : i32
        scf.yield %add3A_161, %add3A_165 : i32, i32
      }
      "tpu.region"() ({
        %run_scoped3A = tpu.sem_alloc : memref<!tpu.dma_semaphore, #tpu.memory_space<semaphore_mem>>
        %dma_start3A = arith.constant 0 : i32
        %dma_start3A_42 = tpu.memref_slice %arg7[%add3A, %dma_start3A] : memref<4x320xi32, #tpu.memory_space<hbm>> -> memref<1x320xi32, #tpu.memory_space<hbm>>
        %dma_start3A_43 = tpu.memref_squeeze %dma_start3A_42 : memref<1x320xi32, #tpu.memory_space<hbm>> -> memref<320xi32, #tpu.memory_space<hbm>>
        %dma_start3A_44 = arith.constant 0 : i32
        %dma_start3A_45 = tpu.memref_slice %arg7[%add3A, %dma_start3A_44] : memref<4x320xi32, #tpu.memory_space<hbm>> -> memref<1x320xi32, #tpu.memory_space<hbm>>
        %dma_start3A_46 = tpu.memref_squeeze %dma_start3A_45 : memref<1x320xi32, #tpu.memory_space<hbm>> -> memref<320xi32, #tpu.memory_space<hbm>>
        tpu.enqueue_dma source(%arg20 : memref<320xi32, #tpu.memory_space<vmem>>) target(%dma_start3A_46 : memref<320xi32, #tpu.memory_space<hbm>>) target_semaphore(%run_scoped3A : memref<!tpu.dma_semaphore, #tpu.memory_space<semaphore_mem>>)
        %dma_wait3A = arith.constant 0 : i32
        %dma_wait3A_47 = tpu.memref_slice %arg7[%add3A, %dma_wait3A] : memref<4x320xi32, #tpu.memory_space<hbm>> -> memref<1x320xi32, #tpu.memory_space<hbm>>
        %dma_wait3A_48 = tpu.memref_squeeze %dma_wait3A_47 : memref<1x320xi32, #tpu.memory_space<hbm>> -> memref<320xi32, #tpu.memory_space<hbm>>
        %dma_wait3A_49 = arith.constant 0 : i32
        %dma_wait3A_50 = tpu.memref_slice %arg7[%add3A, %dma_wait3A_49] : memref<4x320xi32, #tpu.memory_space<hbm>> -> memref<1x320xi32, #tpu.memory_space<hbm>>
        %dma_wait3A_51 = tpu.memref_squeeze %dma_wait3A_50 : memref<1x320xi32, #tpu.memory_space<hbm>> -> memref<320xi32, #tpu.memory_space<hbm>>
        tpu.wait_dma2 semaphore(%run_scoped3A : memref<!tpu.dma_semaphore, #tpu.memory_space<semaphore_mem>>) src(%arg20 : memref<320xi32, #tpu.memory_space<vmem>>) dst(%dma_wait3A_51 : memref<320xi32, #tpu.memory_space<hbm>>)
        tpu.yield
      }) : () -> ()
    } else {
    }
    %sub3A = arith.constant 4 : i32
    %sub3A_6 = arith.subi %add3A, %sub3A : i32
    %ge3A = arith.constant 4 : i32
    %ge3A_7 = arith.cmpi sge, %add3A, %ge3A : i32
    %lt3A_8 = arith.constant 11 : i32
    %lt3A_9 = arith.cmpi slt, %sub3A_6, %lt3A_8 : i32
    %and3A = arith.andi %ge3A_7, %lt3A_9 : i1
    %convert_element_type3A_10 = arith.extui %and3A : i1 to i32
    %cond3A_11 = arith.constant 0 : i32
    %cond3A_12 = arith.cmpi ne, %convert_element_type3A_10, %cond3A_11 : i32
    scf.if %cond3A_12 {
      %mul3A_17 = arith.constant 1680 : i32
      %mul3A_18 = arith.muli %sub3A_6, %mul3A_17 : i32
      %mul3A_19 = arith.constant 4 : i32
      %mul3A_20 = arith.muli %mul3A_18, %mul3A_19 : i32
      "tpu.region"() ({
        %run_scoped3A = tpu.sem_alloc : memref<!tpu.dma_semaphore, #tpu.memory_space<semaphore_mem>>
        %dma_start3A = arith.constant 0 : i32
        %dma_start3A_29 = tpu.memref_slice %arg8[%dma_start3A] : memref<20032xf32, #tpu.memory_space<vmem>> -> memref<6720xf32, #tpu.memory_space<vmem>>
        %dma_start3A_30 = tpu.memref_slice %arg2[%mul3A_20] : memref<80000xf32, #tpu.memory_space<hbm>> -> memref<6720xf32, #tpu.memory_space<hbm>>
        %dma_start3A_31 = arith.constant 0 : i32
        %dma_start3A_32 = tpu.memref_slice %arg8[%dma_start3A_31] : memref<20032xf32, #tpu.memory_space<vmem>> -> memref<6720xf32, #tpu.memory_space<vmem>>
        %dma_start3A_33 = tpu.memref_slice %arg2[%mul3A_20] : memref<80000xf32, #tpu.memory_space<hbm>> -> memref<6720xf32, #tpu.memory_space<hbm>>
        tpu.enqueue_dma source(%dma_start3A_33 : memref<6720xf32, #tpu.memory_space<hbm>>) target(%dma_start3A_32 : memref<6720xf32, #tpu.memory_space<vmem>>) target_semaphore(%run_scoped3A : memref<!tpu.dma_semaphore, #tpu.memory_space<semaphore_mem>>)
        %dma_wait3A = arith.constant 0 : i32
        %dma_wait3A_34 = tpu.memref_slice %arg8[%dma_wait3A] : memref<20032xf32, #tpu.memory_space<vmem>> -> memref<6720xf32, #tpu.memory_space<vmem>>
        %dma_wait3A_35 = tpu.memref_slice %arg2[%mul3A_20] : memref<80000xf32, #tpu.memory_space<hbm>> -> memref<6720xf32, #tpu.memory_space<hbm>>
        %dma_wait3A_36 = arith.constant 0 : i32
        %dma_wait3A_37 = tpu.memref_slice %arg8[%dma_wait3A_36] : memref<20032xf32, #tpu.memory_space<vmem>> -> memref<6720xf32, #tpu.memory_space<vmem>>
        %dma_wait3A_38 = tpu.memref_slice %arg2[%mul3A_20] : memref<80000xf32, #tpu.memory_space<hbm>> -> memref<6720xf32, #tpu.memory_space<hbm>>
        tpu.wait_dma2 semaphore(%run_scoped3A : memref<!tpu.dma_semaphore, #tpu.memory_space<semaphore_mem>>) src(%dma_wait3A_38 : memref<6720xf32, #tpu.memory_space<hbm>>) dst(%dma_wait3A_37 : memref<6720xf32, #tpu.memory_space<vmem>>)
        tpu.yield
      }) : () -> ()
      %iota3A = tpu.iota {dimensions = array<i32: 0>} : vector<16xi32>
      %scan3A = arith.constant 0 : i32
      %scan3A_21 = arith.constant 0 : i32
      %scan3A_22 = arith.constant 105 : i32
      %scan3A_23 = arith.addi %scan3A_21, %scan3A_22 : i32
      %scan3A_24 = arith.constant 1 : i32
      %scan3A_25 = scf.for %scan3A_29 = %scan3A_21 to %scan3A_23 step %scan3A_24 iter_args(%scan3A_30 = %scan3A) -> (i32)  : i32 {
        %mul3A_31 = arith.constant 16 : i32
        %mul3A_32 = arith.muli %scan3A_29, %mul3A_31 : i32
        %add3A_33 = vector.broadcast %mul3A_32 : i32 to vector<16xi32>
        %add3A_34 = arith.addi %iota3A, %add3A_33 : vector<16xi32>
        %mul3A_35 = arith.constant 4 : i32
        %mul3A_36 = vector.broadcast %mul3A_35 : i32 to vector<16xi32>
        %mul3A_37 = arith.muli %add3A_34, %mul3A_36 : vector<16xi32>
        %gather3A = tpu.vector_load_idx %arg8[%mul3A_37] : memref<20032xf32, #tpu.memory_space<vmem>>[vector<16xi32>], vector<16xf32>,
        %add3A_38 = arith.constant 1 : i32
        %add3A_39 = vector.broadcast %add3A_38 : i32 to vector<16xi32>
        %add3A_40 = arith.addi %mul3A_37, %add3A_39 : vector<16xi32>
        %gather3A_41 = tpu.vector_load_idx %arg8[%add3A_40] : memref<20032xf32, #tpu.memory_space<vmem>>[vector<16xi32>], vector<16xf32>,
        %add3A_42 = arith.constant 2 : i32
        %add3A_43 = vector.broadcast %add3A_42 : i32 to vector<16xi32>
        %add3A_44 = arith.addi %mul3A_37, %add3A_43 : vector<16xi32>
        %gather3A_45 = tpu.vector_load_idx %arg8[%add3A_44] : memref<20032xf32, #tpu.memory_space<vmem>>[vector<16xi32>], vector<16xf32>,
        %add3A_46 = arith.constant 3 : i32
        %add3A_47 = vector.broadcast %add3A_46 : i32 to vector<16xi32>
        %add3A_48 = arith.addi %mul3A_37, %add3A_47 : vector<16xi32>
        %gather3A_49 = tpu.vector_load_idx %arg8[%add3A_48] : memref<20032xf32, #tpu.memory_space<vmem>>[vector<16xi32>], vector<16xf32>,
        %mul3A_50 = arith.constant 5.000000e-01 : f32
        %mul3A_51 = vector.broadcast %mul3A_50 : f32 to vector<16xf32>
        %mul3A_52 = arith.mulf %mul3A_51, %gather3A_45 : vector<16xf32>
        %sub3A_53 = arith.subf %gather3A, %mul3A_52 : vector<16xf32>
        %max3A = arith.constant 0.000000e+00 : f32
        %max3A_54 = vector.broadcast %max3A : f32 to vector<16xf32>
        %max3A_55 = arith.maximumf %sub3A_53, %max3A_54 : vector<16xf32>
        %min3A = arith.minimumf %max3A_55, %get3A_1 : vector<16xf32>
        %mul3A_56 = arith.constant 5.000000e-01 : f32
        %mul3A_57 = vector.broadcast %mul3A_56 : f32 to vector<16xf32>
        %mul3A_58 = arith.mulf %mul3A_57, %gather3A_49 : vector<16xf32>
        %sub3A_59 = arith.subf %gather3A_41, %mul3A_58 : vector<16xf32>
        %max3A_60 = arith.constant 0.000000e+00 : f32
        %max3A_61 = vector.broadcast %max3A_60 : f32 to vector<16xf32>
        %max3A_62 = arith.maximumf %sub3A_59, %max3A_61 : vector<16xf32>
        %min3A_63 = arith.minimumf %max3A_62, %get3A_3 : vector<16xf32>
        %mul3A_64 = arith.constant 5.000000e-01 : f32
        %mul3A_65 = vector.broadcast %mul3A_64 : f32 to vector<16xf32>
        %mul3A_66 = arith.mulf %mul3A_65, %gather3A_45 : vector<16xf32>
        %add3A_67 = arith.addf %gather3A, %mul3A_66 : vector<16xf32>
        %max3A_68 = arith.constant 0.000000e+00 : f32
        %max3A_69 = vector.broadcast %max3A_68 : f32 to vector<16xf32>
        %max3A_70 = arith.maximumf %add3A_67, %max3A_69 : vector<16xf32>
        %min3A_71 = arith.minimumf %max3A_70, %get3A_1 : vector<16xf32>
        %mul3A_72 = arith.constant 5.000000e-01 : f32
        %mul3A_73 = vector.broadcast %mul3A_72 : f32 to vector<16xf32>
        %mul3A_74 = arith.mulf %mul3A_73, %gather3A_49 : vector<16xf32>
        %add3A_75 = arith.addf %gather3A_41, %mul3A_74 : vector<16xf32>
        %max3A_76 = arith.constant 0.000000e+00 : f32
        %max3A_77 = vector.broadcast %max3A_76 : f32 to vector<16xf32>
        %max3A_78 = arith.maximumf %add3A_75, %max3A_77 : vector<16xf32>
        %min3A_79 = arith.minimumf %max3A_78, %get3A_3 : vector<16xf32>
        tpu.vector_store_idx %arg23[%mul3A_37], %min3A : memref<6720xf32, #tpu.memory_space<vmem>>[vector<16xi32>], vector<16xf32>,
        %add3A_80 = arith.constant 1 : i32
        %add3A_81 = vector.broadcast %add3A_80 : i32 to vector<16xi32>
        %add3A_82 = arith.addi %mul3A_37, %add3A_81 : vector<16xi32>
        tpu.vector_store_idx %arg23[%add3A_82], %min3A_63 : memref<6720xf32, #tpu.memory_space<vmem>>[vector<16xi32>], vector<16xf32>,
        %add3A_83 = arith.constant 2 : i32
        %add3A_84 = vector.broadcast %add3A_83 : i32 to vector<16xi32>
        %add3A_85 = arith.addi %mul3A_37, %add3A_84 : vector<16xi32>
        tpu.vector_store_idx %arg23[%add3A_85], %min3A_71 : memref<6720xf32, #tpu.memory_space<vmem>>[vector<16xi32>], vector<16xf32>,
        %add3A_86 = arith.constant 3 : i32
        %add3A_87 = vector.broadcast %add3A_86 : i32 to vector<16xi32>
        %add3A_88 = arith.addi %mul3A_37, %add3A_87 : vector<16xi32>
        tpu.vector_store_idx %arg23[%add3A_88], %min3A_79 : memref<6720xf32, #tpu.memory_space<vmem>>[vector<16xi32>], vector<16xf32>,
        %scan3A_89 = arith.constant 0 : i32
        scf.yield %scan3A_89 : i32
      }
      %scan3A_26 = arith.constant 105 : i32
      %mul3A_27 = arith.constant 4 : i32
      %mul3A_28 = arith.muli %mul3A_18, %mul3A_27 : i32
      "tpu.region"() ({
        %run_scoped3A = tpu.sem_alloc : memref<!tpu.dma_semaphore, #tpu.memory_space<semaphore_mem>>
        %dma_start3A = arith.constant 0 : i32
        %dma_start3A_29 = tpu.memref_slice %arg23[%dma_start3A] : memref<6720xf32, #tpu.memory_space<vmem>> -> memref<6720xf32, #tpu.memory_space<vmem>>
        %dma_start3A_30 = tpu.memref_slice %arg6[%mul3A_28] : memref<80000xf32, #tpu.memory_space<hbm>> -> memref<6720xf32, #tpu.memory_space<hbm>>
        %dma_start3A_31 = tpu.memref_slice %arg6[%mul3A_28] : memref<80000xf32, #tpu.memory_space<hbm>> -> memref<6720xf32, #tpu.memory_space<hbm>>
        %dma_start3A_32 = arith.constant 0 : i32
        %dma_start3A_33 = tpu.memref_slice %arg23[%dma_start3A_32] : memref<6720xf32, #tpu.memory_space<vmem>> -> memref<6720xf32, #tpu.memory_space<vmem>>
        tpu.enqueue_dma source(%dma_start3A_33 : memref<6720xf32, #tpu.memory_space<vmem>>) target(%dma_start3A_31 : memref<6720xf32, #tpu.memory_space<hbm>>) target_semaphore(%run_scoped3A : memref<!tpu.dma_semaphore, #tpu.memory_space<semaphore_mem>>)
        %dma_wait3A = arith.constant 0 : i32
        %dma_wait3A_34 = tpu.memref_slice %arg23[%dma_wait3A] : memref<6720xf32, #tpu.memory_space<vmem>> -> memref<6720xf32, #tpu.memory_space<vmem>>
        %dma_wait3A_35 = tpu.memref_slice %arg6[%mul3A_28] : memref<80000xf32, #tpu.memory_space<hbm>> -> memref<6720xf32, #tpu.memory_space<hbm>>
        %dma_wait3A_36 = tpu.memref_slice %arg6[%mul3A_28] : memref<80000xf32, #tpu.memory_space<hbm>> -> memref<6720xf32, #tpu.memory_space<hbm>>
        %dma_wait3A_37 = arith.constant 0 : i32
        %dma_wait3A_38 = tpu.memref_slice %arg23[%dma_wait3A_37] : memref<6720xf32, #tpu.memory_space<vmem>> -> memref<6720xf32, #tpu.memory_space<vmem>>
        tpu.wait_dma2 semaphore(%run_scoped3A : memref<!tpu.dma_semaphore, #tpu.memory_space<semaphore_mem>>) src(%dma_wait3A_38 : memref<6720xf32, #tpu.memory_space<vmem>>) dst(%dma_wait3A_36 : memref<6720xf32, #tpu.memory_space<hbm>>)
        tpu.yield
      }) : () -> ()
    } else {
    }
    %eq3A = arith.constant 11 : i32
    %eq3A_13 = arith.cmpi eq, %sub3A_6, %eq3A : i32
    %convert_element_type3A_14 = arith.extui %eq3A_13 : i1 to i32
    %cond3A_15 = arith.constant 0 : i32
    %cond3A_16 = arith.cmpi ne, %convert_element_type3A_14, %cond3A_15 : i32
    scf.if %cond3A_16 {
      %mul3A_17 = arith.constant 1680 : i32
      %mul3A_18 = arith.muli %sub3A_6, %mul3A_17 : i32
      %mul3A_19 = arith.constant 4 : i32
      %mul3A_20 = arith.muli %mul3A_18, %mul3A_19 : i32
      "tpu.region"() ({
        %run_scoped3A = tpu.sem_alloc : memref<!tpu.dma_semaphore, #tpu.memory_space<semaphore_mem>>
        %dma_start3A = arith.constant 0 : i32
        %dma_start3A_29 = tpu.memref_slice %arg8[%dma_start3A] : memref<20032xf32, #tpu.memory_space<vmem>> -> memref<6080xf32, #tpu.memory_space<vmem>>
        %dma_start3A_30 = tpu.memref_slice %arg2[%mul3A_20] : memref<80000xf32, #tpu.memory_space<hbm>> -> memref<6080xf32, #tpu.memory_space<hbm>>
        %dma_start3A_31 = arith.constant 0 : i32
        %dma_start3A_32 = tpu.memref_slice %arg8[%dma_start3A_31] : memref<20032xf32, #tpu.memory_space<vmem>> -> memref<6080xf32, #tpu.memory_space<vmem>>
        %dma_start3A_33 = tpu.memref_slice %arg2[%mul3A_20] : memref<80000xf32, #tpu.memory_space<hbm>> -> memref<6080xf32, #tpu.memory_space<hbm>>
        tpu.enqueue_dma source(%dma_start3A_33 : memref<6080xf32, #tpu.memory_space<hbm>>) target(%dma_start3A_32 : memref<6080xf32, #tpu.memory_space<vmem>>) target_semaphore(%run_scoped3A : memref<!tpu.dma_semaphore, #tpu.memory_space<semaphore_mem>>)
        %dma_wait3A = arith.constant 0 : i32
        %dma_wait3A_34 = tpu.memref_slice %arg8[%dma_wait3A] : memref<20032xf32, #tpu.memory_space<vmem>> -> memref<6080xf32, #tpu.memory_space<vmem>>
        %dma_wait3A_35 = tpu.memref_slice %arg2[%mul3A_20] : memref<80000xf32, #tpu.memory_space<hbm>> -> memref<6080xf32, #tpu.memory_space<hbm>>
        %dma_wait3A_36 = arith.constant 0 : i32
        %dma_wait3A_37 = tpu.memref_slice %arg8[%dma_wait3A_36] : memref<20032xf32, #tpu.memory_space<vmem>> -> memref<6080xf32, #tpu.memory_space<vmem>>
        %dma_wait3A_38 = tpu.memref_slice %arg2[%mul3A_20] : memref<80000xf32, #tpu.memory_space<hbm>> -> memref<6080xf32, #tpu.memory_space<hbm>>
        tpu.wait_dma2 semaphore(%run_scoped3A : memref<!tpu.dma_semaphore, #tpu.memory_space<semaphore_mem>>) src(%dma_wait3A_38 : memref<6080xf32, #tpu.memory_space<hbm>>) dst(%dma_wait3A_37 : memref<6080xf32, #tpu.memory_space<vmem>>)
        tpu.yield
      }) : () -> ()
      %iota3A = tpu.iota {dimensions = array<i32: 0>} : vector<16xi32>
      %scan3A = arith.constant 0 : i32
      %scan3A_21 = arith.constant 0 : i32
      %scan3A_22 = arith.constant 95 : i32
      %scan3A_23 = arith.addi %scan3A_21, %scan3A_22 : i32
      %scan3A_24 = arith.constant 1 : i32
      %scan3A_25 = scf.for %scan3A_29 = %scan3A_21 to %scan3A_23 step %scan3A_24 iter_args(%scan3A_30 = %scan3A) -> (i32)  : i32 {
        %mul3A_31 = arith.constant 16 : i32
        %mul3A_32 = arith.muli %scan3A_29, %mul3A_31 : i32
        %add3A_33 = vector.broadcast %mul3A_32 : i32 to vector<16xi32>
        %add3A_34 = arith.addi %iota3A, %add3A_33 : vector<16xi32>
        %mul3A_35 = arith.constant 4 : i32
        %mul3A_36 = vector.broadcast %mul3A_35 : i32 to vector<16xi32>
        %mul3A_37 = arith.muli %add3A_34, %mul3A_36 : vector<16xi32>
        %gather3A = tpu.vector_load_idx %arg8[%mul3A_37] : memref<20032xf32, #tpu.memory_space<vmem>>[vector<16xi32>], vector<16xf32>,
        %add3A_38 = arith.constant 1 : i32
        %add3A_39 = vector.broadcast %add3A_38 : i32 to vector<16xi32>
        %add3A_40 = arith.addi %mul3A_37, %add3A_39 : vector<16xi32>
        %gather3A_41 = tpu.vector_load_idx %arg8[%add3A_40] : memref<20032xf32, #tpu.memory_space<vmem>>[vector<16xi32>], vector<16xf32>,
        %add3A_42 = arith.constant 2 : i32
        %add3A_43 = vector.broadcast %add3A_42 : i32 to vector<16xi32>
        %add3A_44 = arith.addi %mul3A_37, %add3A_43 : vector<16xi32>
        %gather3A_45 = tpu.vector_load_idx %arg8[%add3A_44] : memref<20032xf32, #tpu.memory_space<vmem>>[vector<16xi32>], vector<16xf32>,
        %add3A_46 = arith.constant 3 : i32
        %add3A_47 = vector.broadcast %add3A_46 : i32 to vector<16xi32>
        %add3A_48 = arith.addi %mul3A_37, %add3A_47 : vector<16xi32>
        %gather3A_49 = tpu.vector_load_idx %arg8[%add3A_48] : memref<20032xf32, #tpu.memory_space<vmem>>[vector<16xi32>], vector<16xf32>,
        %mul3A_50 = arith.constant 5.000000e-01 : f32
        %mul3A_51 = vector.broadcast %mul3A_50 : f32 to vector<16xf32>
        %mul3A_52 = arith.mulf %mul3A_51, %gather3A_45 : vector<16xf32>
        %sub3A_53 = arith.subf %gather3A, %mul3A_52 : vector<16xf32>
        %max3A = arith.constant 0.000000e+00 : f32
        %max3A_54 = vector.broadcast %max3A : f32 to vector<16xf32>
        %max3A_55 = arith.maximumf %sub3A_53, %max3A_54 : vector<16xf32>
        %min3A = arith.minimumf %max3A_55, %get3A_1 : vector<16xf32>
        %mul3A_56 = arith.constant 5.000000e-01 : f32
        %mul3A_57 = vector.broadcast %mul3A_56 : f32 to vector<16xf32>
        %mul3A_58 = arith.mulf %mul3A_57, %gather3A_49 : vector<16xf32>
        %sub3A_59 = arith.subf %gather3A_41, %mul3A_58 : vector<16xf32>
        %max3A_60 = arith.constant 0.000000e+00 : f32
        %max3A_61 = vector.broadcast %max3A_60 : f32 to vector<16xf32>
        %max3A_62 = arith.maximumf %sub3A_59, %max3A_61 : vector<16xf32>
        %min3A_63 = arith.minimumf %max3A_62, %get3A_3 : vector<16xf32>
        %mul3A_64 = arith.constant 5.000000e-01 : f32
        %mul3A_65 = vector.broadcast %mul3A_64 : f32 to vector<16xf32>
        %mul3A_66 = arith.mulf %mul3A_65, %gather3A_45 : vector<16xf32>
        %add3A_67 = arith.addf %gather3A, %mul3A_66 : vector<16xf32>
        %max3A_68 = arith.constant 0.000000e+00 : f32
        %max3A_69 = vector.broadcast %max3A_68 : f32 to vector<16xf32>
        %max3A_70 = arith.maximumf %add3A_67, %max3A_69 : vector<16xf32>
        %min3A_71 = arith.minimumf %max3A_70, %get3A_1 : vector<16xf32>
        %mul3A_72 = arith.constant 5.000000e-01 : f32
        %mul3A_73 = vector.broadcast %mul3A_72 : f32 to vector<16xf32>
        %mul3A_74 = arith.mulf %mul3A_73, %gather3A_49 : vector<16xf32>
        %add3A_75 = arith.addf %gather3A_41, %mul3A_74 : vector<16xf32>
        %max3A_76 = arith.constant 0.000000e+00 : f32
        %max3A_77 = vector.broadcast %max3A_76 : f32 to vector<16xf32>
        %max3A_78 = arith.maximumf %add3A_75, %max3A_77 : vector<16xf32>
        %min3A_79 = arith.minimumf %max3A_78, %get3A_3 : vector<16xf32>
        tpu.vector_store_idx %arg23[%mul3A_37], %min3A : memref<6720xf32, #tpu.memory_space<vmem>>[vector<16xi32>], vector<16xf32>,
        %add3A_80 = arith.constant 1 : i32
        %add3A_81 = vector.broadcast %add3A_80 : i32 to vector<16xi32>
        %add3A_82 = arith.addi %mul3A_37, %add3A_81 : vector<16xi32>
        tpu.vector_store_idx %arg23[%add3A_82], %min3A_63 : memref<6720xf32, #tpu.memory_space<vmem>>[vector<16xi32>], vector<16xf32>,
        %add3A_83 = arith.constant 2 : i32
        %add3A_84 = vector.broadcast %add3A_83 : i32 to vector<16xi32>
        %add3A_85 = arith.addi %mul3A_37, %add3A_84 : vector<16xi32>
        tpu.vector_store_idx %arg23[%add3A_85], %min3A_71 : memref<6720xf32, #tpu.memory_space<vmem>>[vector<16xi32>], vector<16xf32>,
        %add3A_86 = arith.constant 3 : i32
        %add3A_87 = vector.broadcast %add3A_86 : i32 to vector<16xi32>
        %add3A_88 = arith.addi %mul3A_37, %add3A_87 : vector<16xi32>
        tpu.vector_store_idx %arg23[%add3A_88], %min3A_79 : memref<6720xf32, #tpu.memory_space<vmem>>[vector<16xi32>], vector<16xf32>,
        %scan3A_89 = arith.constant 0 : i32
        scf.yield %scan3A_89 : i32
      }
      %scan3A_26 = arith.constant 95 : i32
      %mul3A_27 = arith.constant 4 : i32
      %mul3A_28 = arith.muli %mul3A_18, %mul3A_27 : i32
      "tpu.region"() ({
        %run_scoped3A = tpu.sem_alloc : memref<!tpu.dma_semaphore, #tpu.memory_space<semaphore_mem>>
        %dma_start3A = arith.constant 0 : i32
        %dma_start3A_29 = tpu.memref_slice %arg23[%dma_start3A] : memref<6720xf32, #tpu.memory_space<vmem>> -> memref<6080xf32, #tpu.memory_space<vmem>>
        %dma_start3A_30 = tpu.memref_slice %arg6[%mul3A_28] : memref<80000xf32, #tpu.memory_space<hbm>> -> memref<6080xf32, #tpu.memory_space<hbm>>
        %dma_start3A_31 = tpu.memref_slice %arg6[%mul3A_28] : memref<80000xf32, #tpu.memory_space<hbm>> -> memref<6080xf32, #tpu.memory_space<hbm>>
        %dma_start3A_32 = arith.constant 0 : i32
        %dma_start3A_33 = tpu.memref_slice %arg23[%dma_start3A_32] : memref<6720xf32, #tpu.memory_space<vmem>> -> memref<6080xf32, #tpu.memory_space<vmem>>
        tpu.enqueue_dma source(%dma_start3A_33 : memref<6080xf32, #tpu.memory_space<vmem>>) target(%dma_start3A_31 : memref<6080xf32, #tpu.memory_space<hbm>>) target_semaphore(%run_scoped3A : memref<!tpu.dma_semaphore, #tpu.memory_space<semaphore_mem>>)
        %dma_wait3A = arith.constant 0 : i32
        %dma_wait3A_34 = tpu.memref_slice %arg23[%dma_wait3A] : memref<6720xf32, #tpu.memory_space<vmem>> -> memref<6080xf32, #tpu.memory_space<vmem>>
        %dma_wait3A_35 = tpu.memref_slice %arg6[%mul3A_28] : memref<80000xf32, #tpu.memory_space<hbm>> -> memref<6080xf32, #tpu.memory_space<hbm>>
        %dma_wait3A_36 = tpu.memref_slice %arg6[%mul3A_28] : memref<80000xf32, #tpu.memory_space<hbm>> -> memref<6080xf32, #tpu.memory_space<hbm>>
        %dma_wait3A_37 = arith.constant 0 : i32
        %dma_wait3A_38 = tpu.memref_slice %arg23[%dma_wait3A_37] : memref<6720xf32, #tpu.memory_space<vmem>> -> memref<6080xf32, #tpu.memory_space<vmem>>
        tpu.wait_dma2 semaphore(%run_scoped3A : memref<!tpu.dma_semaphore, #tpu.memory_space<semaphore_mem>>) src(%dma_wait3A_38 : memref<6080xf32, #tpu.memory_space<vmem>>) dst(%dma_wait3A_36 : memref<6080xf32, #tpu.memory_space<hbm>>)
        tpu.yield
      }) : () -> ()
    } else {
    }
    return
  }
}

</mosaic_0001>

<sc_bundles>
// kernel: kernel.3.cloned.1.call-start
scs
__scs_entry_jumppad:
0x0: {  	(pc) =	sbr.rel $0x88, $3  }
0x1: {  	(tag) =	ssettag $0x0;
	lr =	simm.s32 $0x1  }
0x2: {  	[smem:$0x3F9E] =	sst lr;
	_ =	strace $0xD0000000  }
0x3: {  	_ = 	snop  }
0x4: {  	_ = 	snop  }
0x5: {  	_ = 	snop  }
0x6: {  	_ = 	snop  }
0x7: {  	_ = 	snop  }
__scs_overlays_trampoline_lowered:
0x8: {  	[smem:$0x3FAD] =	sst s0  }
0x9: {  	[smem:$0x3FAE] =	sst s1  }
0xa: {  	[smem:$0x3FAF] =	sst s2  }
0xb: {  	[smem:$0x3FB0] =	sst s3  }
0xc: {  	[smem:$0x3FB1] =	sst s4  }
0xd: {  	[smem:$0x3FB2] =	sst s5  }
0xe: {  	[smem:$0x3FB3] =	sst s6  }
0xf: {  	[smem:$0x3FB4] =	sst s7  }
0x10: {  	[smem:$0x3FB5] =	sst s8  }
0x11: {  	[smem:$0x3FB6] =	sst s9;
	s0 =	simm.s32 @!p0 $0x0  }
0x12: {  	s1 =	sld [smem:$0x3F9C];
	s0 =	simm.s32 @p0 $0x1  }
0x13: {  	[smem:$0x3FB7] =	sst s0;
	s0 =	simm.s32 @!p1 $0x0  }
0x14: {  	s2 =	sld [smem:$0x3F9B];
	s0 =	simm.s32 @p1 $0x1  }
0x15: {  	[smem:$0x3FB8] =	sst s0;
	s0 =	simm.s32 @!p2 $0x0  }
0x16: {  	s3 =	sld [smem:$0x3FDB];
	s0 =	simm.s32 @p2 $0x1  }
0x17: {  	s4 =	simm.s32 $0x1BF5;
	[smem:$0x3FBA] =	sst s0  }
0x18: {  	s0 =	sld [smem:$0x3F9D];
	_ =	swait.ge [sflag:s4], $0x0  }
0x19: {  	s7 =	sld [smem:$0x3F9E]  }
0x1a: {  	s8 =	sadd.s32 $0xFFFFE003, lr  }
0x1b: {  	s9 =	sadd.s32 $0xFFFFFEF7, lr;
	s5 =	simm.s32 $0xFFFFFFFF;
	p2 =	slt.u32 s8, $0xFFFFF086  }
0x1c: {  	p1 =	slt.u32 s9, $0xF7A;
	s5 =	simm.s32 @!p2 $0x0  }
0x1d: {  	s5 =	simm.s32 @p1 $0x1;
	p0 =	seq.s32 s7, s2  }
0x1e: {  	s7 =	smul.u32 @!p0 $0xF7A, s2;
	p2 =	seq.s32 @!p0 s5, $0x0  }
0x1f: {  	s9 =	smul.u32 $0xF7A, s1;
	s8 =	simm.s32 @!p0 $0x1BF5;
	p2 =	por !p2, p0  }
0x20: {  	[sflag:s8] =	ssyncset.s32 @!p0 $0xFFFFF086;
	s6 =	sadd.s32 @!p0 s3, s7;
	s7 =	simm.s32 @!p0 $0x108  }
0x21: {  	s3 =	sadd.s32 s3, s9;
	s6 =	sadd.s32 @!p0 $0x88, s6;
	s7 =	simm.s32 @p2 $0x1082  }
0x22: {  	[simem:s7], [sflag:s8] =	dma.local @!p0 [hbm:s6], $0xF7A  }
0x23: {  	s9 =	sor.u32 $0xD0000000, s2;
	s6 =	simm.s32 $0x108;
	_ =	swait.ge @!p0 [sflag:s8], $0x0  }
0x24: {  	s3 =	sadd.s32 $0x88, s3;
	s6 =	simm.s32 @!p1 $0x1082;
	[sflag:s4] =	ssyncset.s32 $0xFFFFF086  }
0x25: {  	[simem:s6], [sflag:s4] =	dma.local [hbm:s3], $0xF7A  }
0x26: {  	[smem:$0x3F9E] =	sst s1;
	(tag) =	ssettag s2;
	_ =	strace s9  }
0x27: {  	s1 =	sld [smem:$0x3FAE]  }
0x28: {  	s2 =	sld [smem:$0x3FAF]  }
0x29: {  	s4 =	sld [smem:$0x3FB1]  }
0x2a: {  	p0 =	seq.s32 s5, $0x0;
	s5 =	sld [smem:$0x3FB2]  }
0x2b: {  	s6 =	sld [smem:$0x3FB3]  }
0x2c: {  	s7 =	sld [smem:$0x3FB4]  }
0x2d: {  	s3 =	simm.s32 $0x108;
	s8 =	sld [smem:$0x3FB5]  }
0x2e: {  	s3 =	simm.s32 @!p0 $0x1082;
	s9 =	sld [smem:$0x3FB6]  }
0x2f: {  	lr =	sadd.s32 s0, s3;
	s0 =	sld [smem:$0x3FAD]  }
0x30: {  	s3 =	sld [smem:$0x3FB0]  }
0x31: {  	[smem:$0x3FB9] =	sst s10  }
0x32: {  	s10 =	sld [smem:$0x3FB7];
	_ =	sdelay $0x3  }
0x33: {  	p0 =	seq.s32 s10, $0x1;
	s10 =	sld [smem:$0x3FB9];
	_ =	sdelay $0x3  }
0x34: {  	[smem:$0x3FB9] =	sst s10  }
0x35: {  	s10 =	sld [smem:$0x3FB8];
	_ =	sdelay $0x3  }
0x36: {  	p1 =	seq.s32 s10, $0x1;
	s10 =	sld [smem:$0x3FB9];
	_ =	sdelay $0x3  }
0x37: {  	[smem:$0x3FB9] =	sst s10  }
0x38: {  	s10 =	sld [smem:$0x3FBA]  }
0x39: {  	_ = 	snop;
	(pc) =	sbr.ind lr, $3  }
0x3a: {  	_ = 	snop  }
0x3b: {  	_ = 	snop  }
0x3c: {  	p2 =	seq.s32 s10, $0x1;
	s10 =	sld [smem:$0x3FB9]  }
0x3d: {  	_ =	shalt  }
0x3e: {  	_ =	shalt  }
0x3f: {  	_ =	shalt  }
0x40: {  	_ =	shalt  }
0x41: {  	_ =	shalt  }
0x42: {  	_ =	shalt  }
0x43: {  	_ =	shalt  }
0x44: {  	_ =	shalt  }
0x45: {  	_ =	shalt  }
0x46: {  	_ =	shalt  }
0x47: {  	_ =	shalt  }
0x48: {  	_ =	shalt  }
0x49: {  	_ =	shalt  }
0x4a: {  	_ =	shalt  }
0x4b: {  	_ =	shalt  }
0x4c: {  	_ =	shalt  }
0x4d: {  	_ =	shalt  }
0x4e: {  	_ =	shalt  }
0x4f: {  	_ =	shalt  }
0x50: {  	_ =	shalt  }
0x51: {  	_ =	shalt  }
0x52: {  	_ =	shalt  }
0x53: {  	_ =	shalt  }
0x54: {  	_ =	shalt  }
0x55: {  	_ =	shalt  }
0x56: {  	_ =	shalt  }
0x57: {  	_ =	shalt  }
0x58: {  	_ =	shalt  }
0x59: {  	_ =	shalt  }
0x5a: {  	_ =	shalt  }
0x5b: {  	_ =	shalt  }
0x5c: {  	_ =	shalt  }
0x5d: {  	_ =	shalt  }
0x5e: {  	_ =	shalt  }
0x5f: {  	_ =	shalt  }
0x60: {  	_ =	shalt  }
0x61: {  	_ =	shalt  }
0x62: {  	_ =	shalt  }
0x63: {  	_ =	shalt  }
0x64: {  	_ =	shalt  }
0x65: {  	_ =	shalt  }
0x66: {  	_ =	shalt  }
0x67: {  	_ =	shalt  }
0x68: {  	_ =	shalt  }
0x69: {  	_ =	shalt  }
0x6a: {  	_ =	shalt  }
0x6b: {  	_ =	shalt  }
0x6c: {  	_ =	shalt  }
0x6d: {  	_ =	shalt  }
0x6e: {  	_ =	shalt  }
0x6f: {  	_ =	shalt  }
0x70: {  	_ =	shalt  }
0x71: {  	_ =	shalt  }
0x72: {  	_ =	shalt  }
0x73: {  	_ =	shalt  }
0x74: {  	_ =	shalt  }
0x75: {  	_ =	shalt  }
0x76: {  	_ =	shalt  }
0x77: {  	_ =	shalt  }
0x78: {  	_ =	shalt  }
0x79: {  	_ =	shalt  }
0x7a: {  	_ =	shalt  }
0x7b: {  	_ =	shalt  }
0x7c: {  	_ =	shalt  }
0x7d: {  	_ =	shalt  }
0x7e: {  	_ =	shalt  }
0x7f: {  	_ =	shalt  }
0x80: {  	_ =	shalt  }
0x81: {  	_ =	shalt  }
0x82: {  	_ =	shalt  }
0x83: {  	_ =	shalt  }
0x84: {  	_ =	shalt  }
0x85: {  	_ =	shalt  }
0x86: {  	_ =	shalt  }
0x87: {  	_ =	shalt  }
.Lfunc_end0:
.L_simem_size_0:
called_computation_lowered:
.L_overlay_start_0:
0x88: {  	s0 =	sld [smem:$0x3FD9]  }
0x89: {  	s1 =	sld [smem:$0x3FFE];
	_ =	sdelay $0x3  }
0x8a: {  	s0 =	sadd.s32 s1, s0  }
0x8b: {  	[smem:$0x3FC5] =	sst s0  }
0x8c: {  	_ = 	snop  }
0x8d: {  	s0 =	sld [smem:$0x3FD0];
	_ =	sdelay $0x2  }
0x8e: {  	s13 =	simm.s32 $0xA;
	s2 =	simm.s32 $0x10  }
0x8f: {  	[smem:s2], [sflag:s13] =	dma.local [hbm:s0], $0x1  }
0x90: {  	_ =	swait.eq [sflag:s13], $0x1  }
0x91: {  	[sflag:s13] =	ssyncset.done $0x0  }
0x92: {  	s14 =	sld [smem:$0x10];
	[sflag:s13] =	ssyncadd.s32 $0xFFFFFFFF  }
0x93: {  	s15 =	sld [smem:$0x11];
	(tm) =	ssettm $0x1  }
0x94: {  	s16 =	sld [smem:$0x3FFB];
	_ =	sdelay $0x3  }
0x95: {  	_ =	strace s16  }
0x96: {  	s2 =	sld [smem:$0x3FFC];
	_ =	sdelay $0x3  }
0x97: {  	_ =	strace s2  }
0x98: {  	s2 =	sld [smem:$0x3FFD];
	_ =	sdelay $0x3  }
0x99: {  	_ =	strace s2  }
0x9a: {  	_ =	strace $0x8FFFFFFF  }
0x9b: {  	s17 =	sld [smem:$0x3FDB];
	_ =	sdelay $0x1  }
0x9c: {  	s3 =	simm.s32 $_scs_section_size  }
0x9d: {  	s4 =	simm.s32 $_size__tile_overlayer_lowered;
	s5 =	simm.s32 $_tile_overlayer_lowered  }
0x9e: {  	s20 =	simm.s32 $0x1BFF;
	s19 =	sshll.u32 s5, $0x1;
	s2 =	sadd.s32 s3, s17  }
0x9f: {  	s6 =	simm.s32 $0x0;
	s18 =	sshll.u32 s4, $0x1;
	s4 =	sadd.s32 s19, s2  }
0xa0: {  	[timem:s6], [sflag:s20] =	dma.local [hbm:s4], s18  }
0xa1: {  	_ =	swait.ge [sflag:s20], s18  }
0xa2: {  	s3 =	ssub.s32 $0x0, s18;
	[sflag:s20] =	ssyncset.done $0x0  }
0xa3: {  	[sflag:s20] =	ssyncadd.s32 s3;
	_ =	sdelay $0x1  }
0xa4: {  	s21 =	simm.s32 $0x1B8B  }
0xa5: {  	_ =	swait.ge [sflag:s21], $0x1  }
0xa6: {  	[sflag:s21] =	ssyncset.done $0x0  }
0xa7: {  	s23 =	simm.s32 $0x1B8E;
	s22 =	sld [smem:$0x3FFE];
	[sflag:s21] =	ssyncadd.s32 $0xFFFFFFFF  }
0xa8: {  	s24 =	simm.s32 $execute0_lowered;
	[smem:$0x3FD2] =	sst s23  }
0xa9: {  	s4 =	sshll.u32 s24, $0x1;
	_ =	strace $0x80000046;
	[dreg:$0x1] =	wrdreg $0xFFFFFFFF  }
0xaa: {  	s25 =	simm.s32 $_size_execute0_lowered;
	s2 =	sadd.s32 s2, s4;
	[dreg:$0x0] =	wrdreg $0x0  }
0xab: {  	s4 =	sshll.u32 s25, $0x1;
	[dreg:$0x2] =	wrdreg s2  }
0xac: {  	[dreg:$0x3] =	wrdreg s4  }
0xad: {  	[dreg:$0x4] =	wrdreg $0xC0  }
0xae: {  	_ =	task [dreg:s6], $0x5FFFF  }
0xaf: {  	[dreg:$0x1] =	wrdreg $0xFFFFFFFF  }
0xb0: {  	[dreg:$0x0] =	wrdreg $0x60  }
0xb1: {  	[dreg:$0x2] =	wrdreg s14  }
0xb2: {  	[dreg:$0x3] =	wrdreg s22  }
0xb3: {  	[dreg:$0x4] =	wrdreg s15  }
0xb4: {  	[dreg:$0x5] =	wrdreg $0x9  }
0xb5: {  	_ =	task.clear_ibuf [dreg:s6], $0x6FFFF;
	_ =	strace $0x90000046  }
0xb6: {  	s26 =	simm.s32 $0x9;
	_ =	strace $0x80000048  }
0xb7: {  	_ =	swait.ge [sflag:s26], $0x1  }
0xb8: {  	[sflag:s26] =	ssyncadd.s32 $0xFFFFFFFF  }
0xb9: {  	_ =	strace $0x90000048  }
0xba: {  	_ =	sfence  }
0xbb: {  	s28 =	sld [smem:$0x0];
	_ =	sdelay $0x1  }
0xbc: {  	s29 =	srdreg.scid  }
0xbd: {  	s30 =	sshll.u32 s29, $0xD;
	s31 =	sshrl.u32 s29, $0x2  }
0xbe: {  	s1 =	sand.u32 $0x1, s29;
	s2 =	sand.u32 $0x4000, s30;
	s0 =	sadd.s32 s31, s28  }
0xbf: {  	s1 =	sor.u32 s2, s1;
	s0 =	sshll.u32 s0, $0x11  }
0xc0: {  	s0 =	sor.u32 s0, s1  }
0xc1: {  	s0 =	sadd.s32 $0x8F2B, s0  }
0xc2: {  	[sflag:s0] =	ssyncadd.remote.s32 $0x1  }
0xc3: {  	_ =	sfence.sel $0xFFFF  }
0xc4: {  	[dreg:$0x0] =	wrdreg $0xFFFFFFFF;
	(pc) =	sbr.abs _section_cstart, $3  }
0xc5: {  	[dreg:$0x1] =	wrdreg $0xFFFFFFFF  }
0xc6: {  	_ =	task.clear_ibuf [dreg:s6], $0x2FFFF;
	_ =	strace $0x9FFFFFFF  }
0xc7: {  	(tm) =	ssettm $0x7FFFFFFF  }
tec
execute0_lowered:
.L_overlay_start_1:
0x0: {  	(tag) =	ssettag $0x1  }
0x1: {  	s3 =	rddreg [dreg:$0x0]  }
0x2: {  	s2 =	rddreg [dreg:$0x1]  }
0x3: {  	s5 =	rddreg [dreg:$0x2]  }
0x4: {  	s0 =	rddreg [dreg:$0x3];
	s9 =	simm.s32 $0x0  }
0x5: {  	s4 =	simm.s32 $0xCF80;
	[smem:$0x7FF] =	sst s9  }
0x6: {  	s6 =	simm.s32 $0x1;
	s1 =	sadd.s32 $0xC00, s2;
	_ =	strace $0x80000047  }
0x7: {  	[tilespmem:s4], [sflag:$0x1] =	stream.linear.gather [hbm4b:s1+s9], $0x80, $0x38;
	[tilespmem:$0xEB00] =	vst v63  }
0x8: {  	_ =	swait.ge [sflag:s6], $0x80  }
0x9: {  	s31 =	simm.s32 $0xD000;
	s1 =	stileid.u32;
	[sflag:s6] =	ssyncset.done $0x0  }
0xa: {  	s30 =	sadd.s32 $0xE00, s2;
	p0 =	sgt.u32 s1, $0x3;
	[sflag:s6] =	ssyncadd.s32 $0xFFFFFF80  }
0xb: {  	[tilespmem:s31], [sflag:$0x1] =	stream.linear.gather [hbm4b:s30+s9], $0x80, $0x38;
	[tilespmem:$0xEB00] =	vst v63  }
.Ltmp0:
0xc: {  	_ =	swait.ge [sflag:s6], $0x80;
	(pc) =	sbr.rel @p0 .LBB2_19-.Ltmp0, $4  }
0xd: {  	[sflag:s6] =	ssyncset.done $0x0  }
0xe: {  	[sflag:s6] =	ssyncadd.s32 $0xFFFFFF80  }
0xf: {  	v1 =	vld [tilespmem:$0xCF80]  }
0x10: {  	s4 =	sadd.s32 $0xFFFFFFFC, s1;
	v0 =	vld [tilespmem:$0xD000]  }
0x11: {  	s7 =	smul.u32 $0x9C4, s1;
	_ =	sdelay $0x1  }
0x12: {  	s7 =	sadd.s32 s3, s7  }
0x13: {  	[tilespmem:s9], [sflag:$0x1] =	stream.linear.gather [hbm4b:s7+s9], $0x4E20, $0x38;
	[tilespmem:$0xEB00] =	vst v63  }
0x14: {  	s31 =	sadd.s32 $0x200, s2;
	s8 =	sshll.u32 s1, $0x4;
	_ =	swait.ge [sflag:s6], $0x4E20  }
0x15: {  	s10 =	simm.s32 $0x80;
	s11 =	simm.s32 $0x200;
	[sflag:s6] =	ssyncset.done $0x0  }
0x16: {  	s12 =	simm.s32 $0x4E80;
	s7 =	sadd.s32 s31, s8;
	[sflag:s6] =	ssyncadd.s32 $0xFFFFB1E0  }
0x17: {  	[tilespmem:s12], [sflag:$0x1] =	stream.strided.gather [hbm4b:s7+s10], $0x1400, s11, s10, $0x38;
	[tilespmem:$0xEB00] =	vst v63  }
0x18: {  	_ =	swait.ge [sflag:s6], $0x1400  }
0x19: {  	[sflag:s6] =	ssyncset.done $0x0  }
0x1a: {  	s7 =	simm.s32 $0x0;
	[sflag:s6] =	ssyncadd.s32 $0xFFFFEC00  }
0x1b: {  	v2 =	vld [tilespmem:s7+$0x4E80];
	_ =	sdelay $0x4  }
0x1c: {  	v2 =	vshll.u32 v2, $0x2  }
0x1d: {  	v3 =	vor.u32 $0x2, v2  }
0x1e: {  	v4 =	vor.u32 $0x3, v2  }
0x1f: {  	s6 =	simm.s32 $0x10  }
0x20: {  	v6 =	vld [tilespmem:s6+$0x4E80];
	v8 =	vor.u32 $0x1, v2;
	_ =	sdelay $0x1  }
0x21: {  	v3 =	vld.idx.msk [tilespmem:v3+s9+$0x0], $0xffff  }
0x22: {  	v9 =	vld.idx.msk [tilespmem:v4+s9+$0x0], $0xffff  }
0x23: {  	v5 =	vld.idx.msk [tilespmem:v2+s9+$0x0], $0xffff  }
0x24: {  	v2 =	vshll.u32 v6, $0x2;
	v6 =	vld.idx.msk [tilespmem:v8+s9+$0x0], $0xffff;
	_ =	sdelay $0x1  }
0x25: {  	v7 =	vmul.f32 $5.000000000e-01, v3  }
0x26: {  	s5 =	sadd.s32 s5, s8;
	s8 =	simm.s32 $0x80;
	v4 =	vor.u32 $0x2, v2;
	v3 =	vor.u32 $0x3, v2;
	v8 =	vmul.f32 $5.000000000e-01, v9  }
.LBB2_2:
0x27: {  	p0 =	sne.s32 s8, $0x4E00;
	v9 =	vsub.f32 v5, v7;
	v5 =	vadd.f32 v7, v5;
	s9 =	smov.u32 s8;
	s8 =	sadd.s32 $0x40, s8  }
0x28: {  	v7 =	vsub.f32 v6, v8;
	v6 =	vadd.f32 v8, v6  }
0x29: {  	v8 =	vmax.f32 v9, $0.0e+00;
	v5 =	vmax.f32 v5, $0.0e+00  }
0x2a: {  	v8 =	vmin.f32 v8, v1;
	v7 =	vmax.f32 v7, $0.0e+00;
	v6 =	vmax.f32 v6, $0.0e+00  }
0x2b: {  	v5 =	vmin.f32 v5, v1;
	v7 =	vmin.f32 v7, v0;
	v6 =	vmin.f32 v6, v0;
	[tilespmem:s7+$0x6280] =	vst v8  }
0x2c: {  	[tilespmem:s7+$0x8A80] =	vst v5;
	v5 =	vsub.f32 v5, v8;
	v8 =	vsub.f32 v6, v7  }
0x2d: {  	[tilespmem:s7+$0x7680] =	vst v7  }
0x2e: {  	[tilespmem:s7+$0x9E80] =	vst v6;
	v5 =	vmul.f32 v8, v5  }
0x2f: {  	s10 =	sshra.s32 s9, $0x2;
	v6 =	vor.u32 $0x1, v2  }
0x30: {  	s9 =	simm.s32 $0x0;
	v7 =	vld [tilespmem:s10+$0x4E80];
	[tilespmem:s7+$0xB280] =	vst v5;
	s7 =	smov.u32 s6;
	s6 =	smov.u32 s10  }
0x31: {  	v4 =	vld.idx.msk [tilespmem:v4+s9+$0x0], $0xffff  }
0x32: {  	v8 =	vld.idx.msk [tilespmem:v3+s9+$0x0], $0xffff  }
0x33: {  	v5 =	vld.idx.msk [tilespmem:v2+s9+$0x0], $0xffff  }
.Ltmp1:
0x34: {  	v6 =	vld.idx.msk [tilespmem:v6+s9+$0x0], $0xffff;
	(pc) =	sbr.rel @p0 .LBB2_2-.Ltmp1, $3  }
0x35: {  	_ =	sdelay $0x1  }
0x36: {  	v2 =	vshll.u32 v7, $0x2;
	v7 =	vmul.f32 $5.000000000e-01, v4  }
0x37: {  	v4 =	vor.u32 $0x2, v2;
	v3 =	vor.u32 $0x3, v2;
	v8 =	vmul.f32 $5.000000000e-01, v8  }
0x38: {  	v9 =	vsub.f32 v5, v7;
	v5 =	vadd.f32 v7, v5  }
0x39: {  	v57 =	vsub.f32 v6, v8;
	v58 =	vadd.f32 v8, v6  }
0x3a: {  	v59 =	vmax.f32 v9, $0.0e+00;
	v5 =	vmax.f32 v5, $0.0e+00  }
0x3b: {  	v8 =	vmin.f32 v59, v1;
	v7 =	vmax.f32 v57, $0.0e+00;
	v6 =	vmax.f32 v58, $0.0e+00  }
0x3c: {  	v5 =	vmin.f32 v5, v1;
	v7 =	vmin.f32 v7, v0;
	v6 =	vmin.f32 v6, v0  }
0x3d: {  	[tilespmem:s7+$0x6280] =	vst v8;
	v8 =	vsub.f32 v5, v8;
	v60 =	vsub.f32 v6, v7  }
0x3e: {  	[tilespmem:s7+$0x8A80] =	vst v5  }
0x3f: {  	[tilespmem:s7+$0x7680] =	vst v7;
	v5 =	vmul.f32 v60, v8  }
0x40: {  	v61 =	vor.u32 $0x1, v2;
	[tilespmem:s7+$0x9E80] =	vst v6  }
0x41: {  	[tilespmem:s7+$0xB280] =	vst v5  }
0x42: {  	v4 =	vld.idx.msk [tilespmem:v4+s9+$0x0], $0xffff  }
0x43: {  	v3 =	vld.idx.msk [tilespmem:v3+s9+$0x0], $0xffff  }
0x44: {  	v2 =	vld.idx.msk [tilespmem:v2+s9+$0x0], $0xffff  }
0x45: {  	v5 =	vld.idx.msk [tilespmem:v61+s9+$0x0], $0xffff;
	_ =	sdelay $0x1  }
0x46: {  	v4 =	vmul.f32 $5.000000000e-01, v4  }
0x47: {  	v3 =	vmul.f32 $5.000000000e-01, v3  }
0x48: {  	v62 =	vsub.f32 v2, v4;
	v2 =	vadd.f32 v4, v2  }
0x49: {  	v4 =	vsub.f32 v5, v3;
	v3 =	vadd.f32 v3, v5  }
0x4a: {  	v5 =	vmax.f32 v62, $0.0e+00;
	v2 =	vmax.f32 v2, $0.0e+00  }
0x4b: {  	v4 =	vmax.f32 v4, $0.0e+00;
	v3 =	vmax.f32 v3, $0.0e+00;
	v5 =	vmin.f32 v5, v1  }
0x4c: {  	v4 =	vmin.f32 v4, v0;
	v2 =	vmin.f32 v2, v1;
	v3 =	vmin.f32 v3, v0  }
0x4d: {  	[tilespmem:s6+$0x6280] =	vst v5;
	v5 =	vsub.f32 v2, v5;
	v63 =	vsub.f32 v3, v4  }
0x4e: {  	[tilespmem:s6+$0x8A80] =	vst v2  }
0x4f: {  	[tilespmem:s6+$0x7680] =	vst v4;
	v2 =	vmul.f32 v63, v5  }
0x50: {  	[tilespmem:s6+$0x9E80] =	vst v3  }
0x51: {  	s17 =	simm.s32 $0x0;
	p0 =	por $0x1, $0x1;
	v3 =	vimm.s32 $0xFFFFFFFF;
	[tilespmem:s6+$0xB280] =	vst v2  }
.Ltmp2:
0x52: {  	v2 =	vimm.f32 $0.0e+00;
	[tilespmem:s17+$0xCE00] =	vst v3;
	(pc) =	sbr.rel @!p0 .LBB2_5-.Ltmp2, $4  }
0x53: {  	[tilespmem:s17+$0xC680] =	vst v2  }
0x54: {  	[tilespmem:s17+$0xC800] =	vst v2  }
0x55: {  	[tilespmem:s17+$0xC980] =	vst v2  }
0x56: {  	s6 =	simm.s32 $0x40;
	[tilespmem:s17+$0xCB00] =	vst v2  }
.LBB2_4:
0x57: {  	p0 =	sne.s32 s6, $0x4C0;
	[tilespmem:s17+$0xCC80] =	vst v2;
	s17 =	sshra.s32 s6, $0x2;
	s6 =	sadd.s32 $0x40, s6  }
.Ltmp3:
0x58: {  	[tilespmem:s17+$0xCE00] =	vst v3;
	(pc) =	sbr.rel @p0 .LBB2_4-.Ltmp3, $4  }
0x59: {  	[tilespmem:s17+$0xC680] =	vst v2  }
0x5a: {  	[tilespmem:s17+$0xC800] =	vst v2  }
0x5b: {  	[tilespmem:s17+$0xC980] =	vst v2  }
0x5c: {  	[tilespmem:s17+$0xCB00] =	vst v2  }
.LBB2_5:
.Ltmp4:
0x5d: {  	s9 =	simm.s32 $0x0;
	s6 =	simm.s32 $0x6280;
	(pc) =	sbr.rel .LBB2_6-.Ltmp4, $4  }
0x5e: {  	s7 =	simm.s32 $0x7680;
	s8 =	simm.s32 $0x8A80;
	s10 =	simm.s32 $0x9E80  }
0x5f: {  	s11 =	simm.s32 $0xB280;
	s12 =	simm.s32 $0xC680;
	s13 =	simm.s32 $0xC800  }
0x60: {  	s14 =	simm.s32 $0xC980;
	s15 =	simm.s32 $0xCB00;
	s16 =	simm.s32 $0xCC80  }
0x61: {  	[tilespmem:s17+$0xCC80] =	vst v2;
	vm0 =	vmxor vm0, vm0;
	vm1 =	vmmov $0x1;
	s17 =	simm.s32 $0x4E80;
	s18 =	simm.s32 $0xCE00;
	s19 =	simm.s32 $0x0  }
.LBB2_8:
0x62: {  	vm4 =	vmmov vm0;
	s20 =	simm.s32 $0xCC80;
	vm3 =	vmmov vm0;
	vm2 =	vmmov vm0  }
.LBB2_16:
0x63: {  	v24 =	vmul.f32 @p0 v28, v24;
	v26 =	vsub.f32 @p0 v26, v18;
	vm5 =	vgt.f32 @p2 v25, v23  }
0x64: {  	v57 =	vmax.f32 v10, v15;
	v25 =	vmul.f32 @p1 $6.999999880e-01, v29;
	v58 =	vmax.f32 v7, v16  }
0x65: {  	v59 =	vmin.f32 v12, v20;
	v15 =	vmax.f32 v5, v15;
	v31 =	vmin.f32 v13, v19  }
0x66: {  	s20 =	sadd.s32 @p0 $0x10, s20;
	s21 =	simm.s32 $0xCC80;
	v16 =	vmax.f32 v6, v16;
	v60 =	vmin.f32 v8, v20;
	v19 =	vmin.f32 v9, v19  }
0x67: {  	vm6 =	vmmov vm0;
	s21 =	smov.u32 @p0 s20;
	v15 =	vsub.f32 v59, v15;
	v16 =	vsub.f32 v31, v16  }
0x68: {  	vm4 =	vmor @p2 vm4, vm5;
	v20 =	vsub.f32 v60, v57;
	v26 =	vadd.f32 @p0 $9.999999710e-10, v26;
	v30 =	vld [tilespmem:s21+$0x0]  }
0x69: {  	v19 =	vsub.f32 v19, v58;
	v27 =	vsub.f32 @p0 v27, v24;
	v17 =	vpsel p0, v24, v17  }
0x6a: {  	v15 =	vmax.f32 v15, $0.0e+00;
	v16 =	vmax.f32 v16, $0.0e+00;
	v26 =	vmul.f32 @p0 $6.999999880e-01, v26  }
0x6b: {  	vm6 =	vmmov @p2 vm4;
	v19 =	vmax.f32 v19, $0.0e+00;
	v15 =	vmul.f32 v16, v15  }
0x6c: {  	v23 =	vadd.f32 @p0 $9.999999710e-10, v27;
	vm5 =	vgt.f32 @p0 v18, v26;
	v18 =	vmax.f32 v20, $0.0e+00  }
0x6d: {  	v16 =	vmovc @p1 v22;
	v61 =	vadd.f32 v30, v14;
	v62 =	vadd.f32 v30, v11;
	v18 =	vmul.f32 v19, v18  }
0x6e: {  	v21 =	vpsel p0, v23, v21;
	v16 =	vpsel p1, v16, v0;
	v19 =	vpsel p1, v25, v0  }
0x6f: {  	vm3 =	vmor @p0 vm3, vm5;
	v20 =	vsub.f32 v61, v15;
	v22 =	vsub.f32 v62, v18  }
0x70: {  	vm5 =	vmmov vm0;
	vm4 =	vgt.f32 @p1 v16, v19;
	v16 =	vmul.f32 @p0 $6.999999880e-01, v21  }
0x71: {  	vm4 =	vmor @p1 vm6, vm4;
	v19 =	vadd.f32 $9.999999710e-10, v20;
	v63 =	vadd.f32 $9.999999710e-10, v22  }
0x72: {  	v17 =	vpsel p0, v17, v0;
	v16 =	vpsel p0, v16, v0;
	vm5 =	vmmov @p1 vm4  }
0x73: {  	vm4 =	vgt.f32 @p0 v17, v16;
	v19 =	vmul.f32 $6.999999880e-01, v19;
	v16 =	vmul.f32 $6.999999880e-01, v63  }
0x74: {  	vm2 =	vmmov @p0 vm3;
	vm3 =	vmor @p0 vm5, vm4;
	vm4 =	vmmov vm0  }
0x75: {  	vm4 =	vmmov @p0 vm3;
	vm15 =	vgt.f32 v15, v19;
	vm3 =	vgt.f32 v18, v16  }
0x76: {  	vm2 =	vmor vm2, vm15;
	vm3 =	vmor vm4, vm3  }
0x77: {  	v16 =	vsel vm3, $0x3F800000, v2;
	v15 =	vsel vm2, $0x3F800000, v2  }
.LBB2_17:
0x78: {  	v17 =	vmin.f32 v12, v8  }
0x79: {  	v18 =	vmax.f32 v5, v10;
	v19 =	vmin.f32 v13, v9;
	v20 =	vmax.f32 v6, v7  }
0x7a: {  	v17 =	vsub.f32 v17, v18;
	v55 =	vsub.f32 v19, v20;
	_ =	sdelay $0x1  }
0x7b: {  	v17 =	vmax.f32 v17, $0.0e+00;
	v18 =	vmax.f32 v55, $0.0e+00  }
0x7c: {  	v56 =	vadd.f32 v14, v11;
	v17 =	vmul.f32 v18, v17;
	_ =	sdelay $0x1  }
0x7d: {  	(xrf0) =	vmax.scan.msk.f32 $0xffff, v16;
	v18 =	vsub.f32 v56, v17;
	_ =	sdelay $0x1  }
0x7e: {  	v57 =	vadd.f32 $9.999999710e-10, v18;
	_ =	sdelay $0x1  }
0x7f: {  	v16 =	vmul.f32 $6.999999880e-01, v57;
	_ =	sdelay $0x1  }
0x80: {  	v58, _, _ =	vpop (xrf0);
	vm2 =	vgt.f32 v17, v16  }
0x81: {  	(xrf0) =	vmax.scan.msk.f32 $0xffff, v15;
	(v2sf) =	vpush v58, $0xF;
	v59 =	vsel vm2, $0x3F800000, v2  }
0x82: {  	(xrf0) =	vmax.scan.msk.f32 $0xffff, v59;
	_ =	sdelay $0x4  }
0x83: {  	v60, _, _ =	vpop (xrf0)  }
0x84: {  	(v2sf) =	vpush v60, $0xF;
	v61, _, _ =	vpop (xrf0)  }
0x85: {  	(v2sf) =	vpush v61, $0xF;
	_ =	sdelay $0x6  }
0x86: {  	s20 =	spop (v2sf)  }
0x87: {  	p1 =	sgt.f32 s20, $0.0e+00;
	_ =	sdelay $0x1  }
0x88: {  	vm2 =	vmmov vm0;
	p0 =	por !p1, !p1  }
0x89: {  	vm2 =	vmneg @p0 vm2  }
0x8a: {  	vm2 =	vmand vm2, vm1  }
0x8b: {  	v62 =	vmov s19  }
0x8c: {  	s30 =	spop (v2sf)  }
0x8d: {  	s21 =	spop (v2sf)  }
0x8e: {  	p2 =	sgt.f32 s21, $0.0e+00  }
0x8f: {  	p3 =	sgt.f32 s30, $0.0e+00  }
0x90: {  	[tilespmem:v62+s12+$0x0] =	vst.idx.msk vm2, v10;
	p2 =	por !p2, !p2  }
0x91: {  	p3 =	por !p3, !p3;
	[tilespmem:v62+s13+$0x0] =	vst.idx.msk vm2, v7;
	p1 =	por p2, p1  }
0x92: {  	[tilespmem:v62+s14+$0x0] =	vst.idx.msk vm2, v8;
	p1 =	por !p3, !p1  }
0x93: {  	vm3 =	vmmov vm0;
	s20 =	simm.s32 $0x1;
	[tilespmem:v62+s15+$0x0] =	vst.idx.msk vm2, v9;
	p1 =	por !p1, !p1  }
0x94: {  	s20 =	simm.s32 @!p0 $0x0;
	[tilespmem:v62+s16+$0x0] =	vst.idx.msk vm2, v11;
	vm3 =	vmneg @p1 vm3  }
0x95: {  	s31 =	sadd.s32 s20, s19;
	v4 =	vld.idx.msk [tilespmem:v4+s17+$0x0], $0xffff;
	vm3 =	vmand vm3, vm1  }
0x96: {  	v63 =	vmov s31;
	_ =	sdelay $0x3  }
0x97: {  	[tilespmem:v62+s18+$0x0] =	vst.idx.msk vm2, v4  }
0x98: {  	[tilespmem:v63+s12+$0x0] =	vst.idx.msk vm3, v5  }
0x99: {  	s20 =	simm.s32 $0x1;
	[tilespmem:v63+s13+$0x0] =	vst.idx.msk vm3, v6  }
0x9a: {  	s20 =	simm.s32 @!p1 $0x0;
	[tilespmem:v63+s14+$0x0] =	vst.idx.msk vm3, v12  }
0x9b: {  	p0 =	sgt.u32 s9, $0x1385;
	s19 =	sadd.s32 s20, s31;
	[tilespmem:v63+s15+$0x0] =	vst.idx.msk vm3, v13  }
0x9c: {  	p1 =	slt.s32 @!p0 s19, $0x12C;
	[tilespmem:v63+s16+$0x0] =	vst.idx.msk vm3, v14  }
0x9d: {  	p0 =	por p0, !p1;
	v3 =	vld.idx.msk [tilespmem:v3+s17+$0x0], $0xffff  }
.Ltmp5:
0x9e: {  	_ = 	snop;
	(pc) =	sbr.rel @p0 .LBB2_18-.Ltmp5, $2  }
0x9f: {  	_ =	sdelay $0x2  }
0xa0: {  	s9 =	sadd.s32 $0x2, s9;
	[tilespmem:v63+s18+$0x0] =	vst.idx.msk vm3, v3  }
.LBB2_6:
0xa1: {  	v4 =	vmov s9;
	_ =	sdelay $0x2  }
0xa2: {  	s20 =	sadd.s32 $0xF, s19  }
0xa3: {  	v3 =	vor.u32 $0x1, v4;
	s21 =	sand.u32 $0xF, s20  }
0xa4: {  	p1 =	slt.s32 s19, $0xFFFFFFF2;
	s31 =	sshra.s32 s20, $0x1F;
	p0 =	sne.s32 s21, $0x0;
	v10 =	vld.idx.msk [tilespmem:v4+s6+$0x0], $0xffff  }
0xa5: {  	s21 =	sshrl.u32 s31, $0x1C;
	p0 =	por !p1, !p0;
	v7 =	vld.idx.msk [tilespmem:v4+s7+$0x0], $0xffff  }
0xa6: {  	s20 =	sadd.s32 s21, s20;
	s21 =	simm.s32 $0x1;
	p0 =	por !p0, !p0;
	v8 =	vld.idx.msk [tilespmem:v4+s8+$0x0], $0xffff  }
0xa7: {  	s20 =	sshra.s32 s20, $0x4;
	v9 =	vld.idx.msk [tilespmem:v4+s10+$0x0], $0xffff;
	s21 =	simm.s32 @!p0 $0x0  }
0xa8: {  	v5 =	vld.idx.msk [tilespmem:v3+s6+$0x0], $0xffff;
	s20 =	ssub.s32 s20, s21  }
0xa9: {  	v6 =	vld.idx.msk [tilespmem:v3+s7+$0x0], $0xffff;
	p0 =	slt.s32 s20, $0x1  }
.Ltmp6:
0xaa: {  	v12 =	vld.idx.msk [tilespmem:v3+s8+$0x0], $0xffff;
	(pc) =	sbr.rel @p0 .LBB2_17-.Ltmp6, $3  }
0xab: {  	v13 =	vld.idx.msk [tilespmem:v3+s10+$0x0], $0xffff;
	_ =	sdelay $0x1  }
0xac: {  	v11 =	vld.idx.msk [tilespmem:v4+s11+$0x0], $0xffff  }
0xad: {  	v16 =	vimm.f32 $0.0e+00;
	v15 =	vimm.f32 $0.0e+00;
	v14 =	vld.idx.msk [tilespmem:v3+s11+$0x0], $0xffff  }
0xae: {  	v15 =	vld [tilespmem:s12+$0x0];
	p3 =	sne.s32 s20, $0x1  }
.Ltmp7:
0xaf: {  	v16 =	vld [tilespmem:s13+$0x0];
	(pc) =	sbr.rel @!p3 .LBB2_8-.Ltmp7, $4  }
0xb0: {  	v20 =	vld [tilespmem:s14+$0x0]  }
0xb1: {  	v19 =	vld [tilespmem:s15+$0x0]  }
0xb2: {  	s20 =	sadd.s32 $0xFFFFFFFF, s20  }
0xb3: {  	p0 =	por $0x0, $0x0;
	p1 =	por $0x0, $0x0;
	p2 =	por $0x0, $0x0  }
0xb4: {  	_ = 	snop  }
0xb5: {  	v17 =	vmax.f32 v10, v15;
	v15 =	vmax.f32 v5, v15  }
0xb6: {  	v21 =	vld [tilespmem:s16+$0x0];
	v23 =	vmax.f32 v6, v16;
	s21 =	simm.s32 $0xC690;
	v18 =	vmin.f32 v12, v20;
	v22 =	vmin.f32 v13, v19  }
0xb7: {  	s30 =	simm.s32 $0xC990;
	p3 =	sne.s32 s20, $0x1;
	v20 =	vmin.f32 v8, v20;
	v18 =	vsub.f32 v18, v15;
	v15 =	vld [tilespmem:s21+$0x0];
	v22 =	vsub.f32 v22, v23  }
.Ltmp8:
0xb8: {  	v16 =	vmax.f32 v7, v16;
	s29 =	simm.s32 $0xC810;
	v19 =	vmin.f32 v9, v19;
	v17 =	vsub.f32 v20, v17;
	v20 =	vld [tilespmem:s30+$0x0];
	(pc) =	sbr.rel @!p3 .LBB2_10-.Ltmp8, $4  }
0xb9: {  	s31 =	simm.s32 $0xCB10;
	v23 =	vsub.f32 v19, v16;
	v16 =	vld [tilespmem:s29+$0x0];
	v18 =	vmax.f32 v18, $0.0e+00;
	v19 =	vmax.f32 v22, $0.0e+00  }
0xba: {  	v18 =	vmul.f32 v19, v18;
	v19 =	vld [tilespmem:s31+$0x0]  }
0xbb: {  	v26 =	vadd.f32 v21, v14  }
0xbc: {  	p0 =	por $0x1, $0x1;
	s21 =	sadd.s32 $0xFFFFFFFF, s20;
	v24 =	vmax.f32 v17, $0.0e+00;
	v28 =	vmax.f32 v23, $0.0e+00;
	v27 =	vadd.f32 v21, v11  }
0xbd: {  	v17 =	vmul.f32 v28, v24;
	v21 =	vsub.f32 v26, v18;
	v22 =	vmax.f32 v10, v15  }
0xbe: {  	v24 =	vmin.f32 v8, v20;
	v20 =	vmin.f32 v12, v20;
	v15 =	vmax.f32 v5, v15  }
0xbf: {  	s20 =	simm.s32 $0xCC90;
	v23 =	vmax.f32 v7, v16;
	v16 =	vmax.f32 v6, v16;
	v21 =	vadd.f32 $9.999999710e-10, v21  }
0xc0: {  	s22 =	simm.s32 $0xC6A0;
	v20 =	vsub.f32 v20, v15;
	v25 =	vsub.f32 v27, v17;
	v27 =	vld [tilespmem:s20+$0x0];
	v26 =	vmin.f32 v13, v19  }
0xc1: {  	s29 =	simm.s32 $0xC820;
	p3 =	sne.s32 s21, $0x1;
	v15 =	vld [tilespmem:s22+$0x0];
	v19 =	vmin.f32 v9, v19;
	v26 =	vsub.f32 v26, v16;
	v21 =	vmul.f32 $6.999999880e-01, v21  }
.Ltmp9:
0xc2: {  	s30 =	simm.s32 $0xC9A0;
	v22 =	vsub.f32 v24, v22;
	v23 =	vsub.f32 v19, v23;
	v16 =	vld [tilespmem:s29+$0x0];
	(pc) =	sbr.rel @!p3 .LBB2_12-.Ltmp9, $4  }
0xc3: {  	s31 =	simm.s32 $0xCB20;
	v19 =	vmax.f32 v26, $0.0e+00;
	vm2 =	vgt.f32 v18, v21;
	v18 =	vmax.f32 v20, $0.0e+00;
	v20 =	vld [tilespmem:s30+$0x0]  }
0xc4: {  	v18 =	vmul.f32 v19, v18;
	v19 =	vld [tilespmem:s31+$0x0]  }
0xc5: {  	v24 =	vmax.f32 v22, $0.0e+00;
	v28 =	vmax.f32 v23, $0.0e+00;
	v26 =	vadd.f32 v27, v14  }
0xc6: {  	s25 =	sadd.s32 $0xFFFFFFFF, s21;
	p1 =	por $0x1, $0x1;
	v21 =	vadd.f32 $9.999999710e-10, v25;
	vm2 =	vmor vm0, vm2;
	v27 =	vadd.f32 v27, v11  }
0xc7: {  	v22 =	vmul.f32 v28, v24;
	v24 =	vsub.f32 v26, v18;
	v25 =	vmax.f32 v10, v15  }
0xc8: {  	v26 =	vmax.f32 v7, v16;
	v15 =	vmax.f32 v5, v15;
	v16 =	vmax.f32 v6, v16  }
0xc9: {  	s20 =	simm.s32 $0xCCA0;
	v28 =	vmin.f32 v8, v20;
	v20 =	vmin.f32 v12, v20;
	v24 =	vadd.f32 $9.999999710e-10, v24  }
0xca: {  	s21 =	simm.s32 $0xC6B0;
	v29 =	vsub.f32 v27, v22;
	v27 =	vld [tilespmem:s20+$0x0];
	v30 =	vmin.f32 v13, v19;
	v19 =	vmin.f32 v9, v19  }
0xcb: {  	s22 =	simm.s32 $0xC830;
	p3 =	sne.s32 s25, $0x1;
	v20 =	vsub.f32 v20, v15;
	v15 =	vld [tilespmem:s21+$0x0];
	v30 =	vsub.f32 v30, v16;
	v24 =	vmul.f32 $6.999999880e-01, v24  }
.Ltmp10:
0xcc: {  	s23 =	simm.s32 $0xC9B0;
	v25 =	vsub.f32 v28, v25;
	v28 =	vsub.f32 v19, v26;
	v16 =	vld [tilespmem:s22+$0x0];
	(pc) =	sbr.rel @!p3 .LBB2_14-.Ltmp10, $4  }
0xcd: {  	s24 =	simm.s32 $0xCB30;
	v19 =	vmax.f32 v30, $0.0e+00;
	vm3 =	vgt.f32 v18, v24;
	v18 =	vmax.f32 v20, $0.0e+00;
	v20 =	vld [tilespmem:s23+$0x0]  }
0xce: {  	vm4 =	vmmov vm0;
	v23 =	vmul.f32 $6.999999880e-01, v21;
	v18 =	vmul.f32 v19, v18;
	v19 =	vld [tilespmem:s24+$0x0]  }
0xcf: {  	v29 =	vadd.f32 $9.999999710e-10, v29;
	v28 =	vmax.f32 v28, $0.0e+00;
	v26 =	vadd.f32 v27, v14  }
0xd0: {  	s25 =	sadd.s32 $0xFFFFFFFF, s25;
	p2 =	por $0x1, $0x1;
	v24 =	vmax.f32 v25, $0.0e+00;
	v25 =	vmovc v17;
	vm3 =	vmor vm2, vm3;
	v27 =	vadd.f32 v27, v11  }
.LBB2_15:
0xd1: {  	p3 =	sne.s32 s25, $0x1;
	v26 =	vsub.f32 v26, v18;
	vm5 =	vgt.f32 v25, v23;
	v25 =	vmovc v22;
	v22 =	vmul.f32 v28, v24  }
0xd2: {  	v24 =	vmax.f32 v10, v15;
	v23 =	vmul.f32 $6.999999880e-01, v29;
	vm4 =	vmor vm4, vm5  }
0xd3: {  	v28 =	vmax.f32 v7, v16;
	s20 =	sadd.s32 $0x10, s20;
	v29 =	vsub.f32 v27, v22;
	v26 =	vadd.f32 $9.999999710e-10, v26  }
0xd4: {  	v30 =	vmin.f32 v8, v20;
	v20 =	vmin.f32 v12, v20;
	v15 =	vmax.f32 v5, v15;
	v27 =	vld [tilespmem:s20+$0x0]  }
0xd5: {  	v31 =	vmin.f32 v13, v19;
	v16 =	vmax.f32 v6, v16;
	v26 =	vmul.f32 $6.999999880e-01, v26  }
.Ltmp11:
0xd6: {  	v19 =	vmin.f32 v9, v19;
	s21 =	sadd.s32 $0x10, s21;
	v20 =	vsub.f32 v20, v15;
	v31 =	vsub.f32 v31, v16;
	(pc) =	sbr.rel @p3 .LBB2_15-.Ltmp11, $4  }
0xd7: {  	s22 =	sadd.s32 $0x10, s22;
	v24 =	vsub.f32 v30, v24;
	v28 =	vsub.f32 v19, v28;
	v15 =	vld [tilespmem:s21+$0x0];
	vm5 =	vgt.f32 v18, v26  }
0xd8: {  	s23 =	sadd.s32 $0x10, s23;
	v19 =	vmax.f32 v31, $0.0e+00;
	v18 =	vmax.f32 v20, $0.0e+00;
	v16 =	vld [tilespmem:s22+$0x0];
	vm3 =	vmor vm3, vm5  }
0xd9: {  	s24 =	sadd.s32 $0x10, s24;
	v24 =	vmax.f32 v24, $0.0e+00;
	v18 =	vmul.f32 v19, v18;
	v20 =	vld [tilespmem:s23+$0x0];
	v26 =	vadd.f32 v27, v14  }
0xda: {  	s25 =	sadd.s32 $0xFFFFFFFF, s25;
	v28 =	vmax.f32 v28, $0.0e+00;
	v29 =	vadd.f32 $9.999999710e-10, v29;
	v27 =	vadd.f32 v27, v11;
	v19 =	vld [tilespmem:s24+$0x0]  }
.Ltmp12:
0xdb: {  	_ = 	snop;
	(pc) =	sbr.rel .LBB2_16-.Ltmp12, $1  }
0xdc: {  	_ =	sdelay $0x3  }
.LBB2_10:
.Ltmp13:
0xdd: {  	(pc) =	sbr.rel .LBB2_16-.Ltmp13, $2  }
0xde: {  	_ =	sdelay $0x2  }
0xdf: {  	vm4 =	vmmov vm0;
	s20 =	simm.s32 $0xCC80;
	vm3 =	vmmov vm0;
	vm2 =	vmmov vm0  }
.LBB2_12:
.Ltmp14:
0xe0: {  	(pc) =	sbr.rel .LBB2_16-.Ltmp14, $2  }
0xe1: {  	_ =	sdelay $0x2  }
0xe2: {  	v22 =	vmovc v17;
	vm4 =	vmmov vm0;
	vm3 =	vmmov vm2;
	v29 =	vmov v21  }
.LBB2_14:
.Ltmp15:
0xe3: {  	(pc) =	sbr.rel .LBB2_16-.Ltmp15, $2  }
0xe4: {  	_ =	sdelay $0x2  }
0xe5: {  	v25 =	vmov v17;
	vm4 =	vmmov vm0  }
.LBB2_18:
0xe6: {  	s6 =	simm.s32 $0x80  }
0xe7: {  	s7 =	simm.s32 $0x200;
	s8 =	simm.s32 $0xCE00;
	s31 =	simm.s32 $0x1  }
0xe8: {  	[hbm4b:s5+s6] =	stream.strided.scatter [tilespmem:s8], [sflag:$0x1], $0x180, s7, s6, $0x38;
	[tilespmem:$0xEB00] =	vst v63  }
0xe9: {  	_ =	swait.ge [sflag:s31], $0x180  }
0xea: {  	[sflag:s31] =	ssyncset.done $0x0  }
0xeb: {  	[sflag:s31] =	ssyncadd.s32 $0xFFFFFE80  }
.LBB2_19:
0xec: {  	p0 =	sgt.u32 s4, $0xA  }
.Ltmp16:
0xed: {  	_ = 	snop;
	(pc) =	sbr.rel @p0 .LBB2_23-.Ltmp16, $1  }
0xee: {  	_ =	sdelay $0x3  }
0xef: {  	s5 =	simm.s32 $0x0;
	v2 =	vlaneseq.u32  }
0xf0: {  	v2 =	vmul.u32 $0x4, v2;
	v3 =	vmov s5  }
0xf1: {  	s4 =	smul.u32 $0x348, s4;
	v3 =	vshll.u32 v3, $0x2  }
0xf2: {  	v5 =	vor.u32 v2, v3  }
0xf3: {  	s30 =	simm.s32 $0x1;
	s3 =	sadd.s32 s3, s4;
	v10 =	vor.u32 $0x2, v5  }
0xf4: {  	[tilespmem:s5], [sflag:$0x1] =	stream.linear.gather [hbm4b:s3+s5], $0x1A40, $0x38;
	v3 =	vor.u32 $0x3, v5;
	[tilespmem:$0xEB00] =	vst v63  }
0xf5: {  	_ =	swait.ge [sflag:s30], $0x1A40  }
0xf6: {  	v6 =	vor.u32 $0x1, v5;
	[sflag:s30] =	ssyncset.done $0x0  }
0xf7: {  	[sflag:s30] =	ssyncadd.s32 $0xFFFFE5C0  }
0xf8: {  	v4 =	vld.idx.msk [tilespmem:v10+s5+$0x0], $0xffff  }
0xf9: {  	v7 =	vld.idx.msk [tilespmem:v3+s5+$0x0], $0xffff  }
0xfa: {  	v8 =	vld.idx.msk [tilespmem:v5+s5+$0x0], $0xffff  }
0xfb: {  	v9 =	vld.idx.msk [tilespmem:v6+s5+$0x0], $0xffff;
	_ =	sdelay $0x1  }
0xfc: {  	v4 =	vmul.f32 $5.000000000e-01, v4  }
0xfd: {  	v7 =	vmul.f32 $5.000000000e-01, v7  }
0xfe: {  	s31 =	simm.s32 $0x10;
	v11 =	vsub.f32 v8, v4  }
0xff: {  	v12 =	vmov s31;
	v13 =	vsub.f32 v9, v7;
	v8 =	vadd.f32 v4, v8  }
0x100: {  	v4 =	vshll.u32 v12, $0x2;
	v7 =	vadd.f32 v7, v9;
	v11 =	vmax.f32 v11, $0.0e+00  }
0x101: {  	s3 =	simm.s32 $0xD080;
	v4 =	vor.u32 v2, v4;
	v63 =	vmax.f32 v8, $0.0e+00;
	v9 =	vmin.f32 v11, v1  }
0x102: {  	v8 =	vor.u32 $0x2, v4;
	v11 =	vmax.f32 v13, $0.0e+00;
	[tilespmem:v5+s3+$0x0] =	vst.idx.msk $0xffff, v9;
	v5 =	vmax.f32 v7, $0.0e+00  }
0x103: {  	v11 =	vmin.f32 v11, v0  }
0x104: {  	s2 =	sadd.s32 s4, s2;
	v12 =	vmin.f32 v63, v1;
	[tilespmem:v6+s3+$0x0] =	vst.idx.msk $0xffff, v11  }
0x105: {  	s4 =	simm.s32 $0x20;
	s2 =	sadd.s32 $0x1000, s2;
	v7 =	vor.u32 $0x3, v4;
	v6 =	vor.u32 $0x1, v4;
	v9 =	vmin.f32 v5, v0;
	[tilespmem:v10+s3+$0x0] =	vst.idx.msk $0xffff, v12;
	v5 =	vmovc v8  }
.LBB2_21:
0x106: {  	p0 =	sne.s32 s4, $0x680;
	[tilespmem:v3+s3+$0x0] =	vst.idx.msk $0xffff, v9;
	v3 =	vmov v7;
	s6 =	smov.u32 s4;
	s4 =	sadd.s32 $0x10, s4  }
0x107: {  	v8 =	vld.idx.msk [tilespmem:v8+s5+$0x0], $0xffff  }
0x108: {  	v7 =	vld.idx.msk [tilespmem:v7+s5+$0x0], $0xffff  }
0x109: {  	v9 =	vld.idx.msk [tilespmem:v4+s5+$0x0], $0xffff  }
0x10a: {  	v10 =	vld.idx.msk [tilespmem:v6+s5+$0x0], $0xffff;
	_ =	sdelay $0x2  }
0x10b: {  	v8 =	vmul.f32 $5.000000000e-01, v8  }
0x10c: {  	v7 =	vmul.f32 $5.000000000e-01, v7  }
0x10d: {  	v11 =	vmov s6;
	v12 =	vsub.f32 v9, v8;
	v8 =	vadd.f32 v8, v9  }
0x10e: {  	v9 =	vshll.u32 v11, $0x2;
	v11 =	vsub.f32 v10, v7;
	v10 =	vadd.f32 v7, v10  }
.Ltmp17:
0x10f: {  	v9 =	vor.u32 v2, v9;
	v7 =	vmax.f32 v12, $0.0e+00;
	v12 =	vmax.f32 v8, $0.0e+00;
	(pc) =	sbr.rel @p0 .LBB2_21-.Ltmp17, $4  }
0x110: {  	v8 =	vor.u32 $0x2, v9;
	v13 =	vmin.f32 v7, v1;
	v11 =	vmax.f32 v11, $0.0e+00  }
0x111: {  	v7 =	vor.u32 $0x3, v9;
	v10 =	vmax.f32 v10, $0.0e+00;
	v11 =	vmin.f32 v11, v0;
	[tilespmem:v4+s3+$0x0] =	vst.idx.msk $0xffff, v13;
	v4 =	vmovc v9  }
0x112: {  	v12 =	vmin.f32 v12, v1;
	[tilespmem:v6+s3+$0x0] =	vst.idx.msk $0xffff, v11  }
0x113: {  	v9 =	vmin.f32 v10, v0;
	v6 =	vor.u32 $0x1, v4;
	[tilespmem:v5+s3+$0x0] =	vst.idx.msk $0xffff, v12;
	v5 =	vmov v8  }
0x114: {  	_ =	sdelay $0x3  }
0x115: {  	[tilespmem:v3+s3+$0x0] =	vst.idx.msk $0xffff, v9  }
0x116: {  	v2 =	vld.idx.msk [tilespmem:v8+s5+$0x0], $0xffff  }
0x117: {  	v3 =	vld.idx.msk [tilespmem:v7+s5+$0x0], $0xffff  }
0x118: {  	v59 =	vld.idx.msk [tilespmem:v4+s5+$0x0], $0xffff  }
0x119: {  	v9 =	vld.idx.msk [tilespmem:v6+s5+$0x0], $0xffff;
	_ =	sdelay $0x1  }
0x11a: {  	v2 =	vmul.f32 $5.000000000e-01, v2  }
0x11b: {  	v3 =	vmul.f32 $5.000000000e-01, v3  }
0x11c: {  	v10 =	vsub.f32 v59, v2  }
0x11d: {  	v11 =	vsub.f32 v9, v3  }
0x11e: {  	v2 =	vadd.f32 v2, v59;
	v60 =	vmax.f32 v10, $0.0e+00  }
0x11f: {  	v3 =	vadd.f32 v3, v9;
	v61 =	vmax.f32 v11, $0.0e+00;
	v8 =	vmin.f32 v60, v1  }
0x120: {  	v2 =	vmax.f32 v2, $0.0e+00;
	v9 =	vmin.f32 v61, v0;
	[tilespmem:v4+s3+$0x0] =	vst.idx.msk $0xffff, v8  }
0x121: {  	v3 =	vmax.f32 v3, $0.0e+00;
	v62 =	vmin.f32 v2, v1;
	[tilespmem:v6+s3+$0x0] =	vst.idx.msk $0xffff, v9  }
0x122: {  	s30 =	simm.s32 $0x0;
	v63 =	vmin.f32 v3, v0;
	[tilespmem:v5+s3+$0x0] =	vst.idx.msk $0xffff, v62  }
.Ltmp18:
0x123: {  	s4 =	simm.s32 $0xD080;
	s31 =	simm.s32 $0x1;
	[tilespmem:v7+s3+$0x0] =	vst.idx.msk $0xffff, v63;
	(pc) =	sbr.rel .LBB2_27-.Ltmp18, $4  }
0x124: {  	[hbm4b:s2+s30] =	stream.linear.scatter [tilespmem:s4], [sflag:$0x1], $0x1A40, $0x38;
	[tilespmem:$0xEB00] =	vst v63  }
0x125: {  	_ =	swait.ge [sflag:s31], $0x1A40  }
0x126: {  	[sflag:s31] =	ssyncset.done $0x0  }
0x127: {  	[sflag:s31] =	ssyncadd.s32 $0xFFFFE5C0  }
.LBB2_23:
0x128: {  	p0 =	sne.s32 s4, $0xB  }
.Ltmp19:
0x129: {  	_ = 	snop;
	(pc) =	sbr.rel @p0 .LBB2_27-.Ltmp19, $1  }
0x12a: {  	_ =	sdelay $0x3  }
0x12b: {  	s4 =	simm.s32 $0x0;
	v2 =	vlaneseq.u32  }
0x12c: {  	v2 =	vmul.u32 $0x4, v2;
	v3 =	vmov s4  }
0x12d: {  	v3 =	vshll.u32 v3, $0x2  }
0x12e: {  	v5 =	vor.u32 v2, v3  }
0x12f: {  	s3 =	sadd.s32 $0x2418, s3;
	s30 =	simm.s32 $0x1;
	v10 =	vor.u32 $0x2, v5  }
0x130: {  	[tilespmem:s4], [sflag:$0x1] =	stream.linear.gather [hbm4b:s3+s4], $0x17C0, $0x38;
	v3 =	vor.u32 $0x3, v5;
	[tilespmem:$0xEB00] =	vst v63  }
0x131: {  	_ =	swait.ge [sflag:s30], $0x17C0  }
0x132: {  	[sflag:s30] =	ssyncset.done $0x0;
	v6 =	vor.u32 $0x1, v5  }
0x133: {  	[sflag:s30] =	ssyncadd.s32 $0xFFFFE840  }
0x134: {  	v4 =	vld.idx.msk [tilespmem:v10+s4+$0x0], $0xffff  }
0x135: {  	v7 =	vld.idx.msk [tilespmem:v3+s4+$0x0], $0xffff  }
0x136: {  	v8 =	vld.idx.msk [tilespmem:v5+s4+$0x0], $0xffff  }
0x137: {  	v9 =	vld.idx.msk [tilespmem:v6+s4+$0x0], $0xffff;
	_ =	sdelay $0x1  }
0x138: {  	v4 =	vmul.f32 $5.000000000e-01, v4  }
0x139: {  	v7 =	vmul.f32 $5.000000000e-01, v7  }
0x13a: {  	s31 =	simm.s32 $0x10;
	v11 =	vsub.f32 v8, v4  }
0x13b: {  	v12 =	vmov s31;
	v13 =	vsub.f32 v9, v7;
	v8 =	vadd.f32 v4, v8  }
0x13c: {  	v4 =	vshll.u32 v12, $0x2;
	v7 =	vadd.f32 v7, v9;
	v11 =	vmax.f32 v11, $0.0e+00  }
0x13d: {  	s3 =	simm.s32 $0xD080;
	v4 =	vor.u32 v2, v4;
	v63 =	vmax.f32 v8, $0.0e+00;
	v9 =	vmin.f32 v11, v1  }
0x13e: {  	v8 =	vor.u32 $0x2, v4;
	v11 =	vmax.f32 v13, $0.0e+00;
	[tilespmem:v5+s3+$0x0] =	vst.idx.msk $0xffff, v9;
	v5 =	vmax.f32 v7, $0.0e+00  }
0x13f: {  	v11 =	vmin.f32 v11, v0  }
0x140: {  	v12 =	vmin.f32 v63, v1;
	[tilespmem:v6+s3+$0x0] =	vst.idx.msk $0xffff, v11  }
0x141: {  	s2 =	sadd.s32 $0x3418, s2;
	s5 =	simm.s32 $0x20;
	v7 =	vor.u32 $0x3, v4;
	v6 =	vor.u32 $0x1, v4;
	v9 =	vmin.f32 v5, v0;
	[tilespmem:v10+s3+$0x0] =	vst.idx.msk $0xffff, v12;
	v5 =	vmovc v8  }
.LBB2_25:
0x142: {  	p0 =	sne.s32 s5, $0x5E0;
	[tilespmem:v3+s3+$0x0] =	vst.idx.msk $0xffff, v9;
	v3 =	vmov v7;
	s6 =	smov.u32 s5;
	s5 =	sadd.s32 $0x10, s5  }
0x143: {  	v8 =	vld.idx.msk [tilespmem:v8+s4+$0x0], $0xffff  }
0x144: {  	v7 =	vld.idx.msk [tilespmem:v7+s4+$0x0], $0xffff  }
0x145: {  	v9 =	vld.idx.msk [tilespmem:v4+s4+$0x0], $0xffff  }
0x146: {  	v10 =	vld.idx.msk [tilespmem:v6+s4+$0x0], $0xffff;
	_ =	sdelay $0x2  }
0x147: {  	v8 =	vmul.f32 $5.000000000e-01, v8  }
0x148: {  	v7 =	vmul.f32 $5.000000000e-01, v7  }
0x149: {  	v11 =	vmov s6;
	v12 =	vsub.f32 v9, v8;
	v8 =	vadd.f32 v8, v9  }
0x14a: {  	v9 =	vshll.u32 v11, $0x2;
	v11 =	vsub.f32 v10, v7;
	v10 =	vadd.f32 v7, v10  }
.Ltmp20:
0x14b: {  	v9 =	vor.u32 v2, v9;
	v7 =	vmax.f32 v12, $0.0e+00;
	v12 =	vmax.f32 v8, $0.0e+00;
	(pc) =	sbr.rel @p0 .LBB2_25-.Ltmp20, $4  }
0x14c: {  	v8 =	vor.u32 $0x2, v9;
	v13 =	vmin.f32 v7, v1;
	v11 =	vmax.f32 v11, $0.0e+00  }
0x14d: {  	v7 =	vor.u32 $0x3, v9;
	v10 =	vmax.f32 v10, $0.0e+00;
	v11 =	vmin.f32 v11, v0;
	[tilespmem:v4+s3+$0x0] =	vst.idx.msk $0xffff, v13;
	v4 =	vmovc v9  }
0x14e: {  	v12 =	vmin.f32 v12, v1;
	[tilespmem:v6+s3+$0x0] =	vst.idx.msk $0xffff, v11  }
0x14f: {  	v9 =	vmin.f32 v10, v0;
	v6 =	vor.u32 $0x1, v4;
	[tilespmem:v5+s3+$0x0] =	vst.idx.msk $0xffff, v12;
	v5 =	vmov v8  }
0x150: {  	_ =	sdelay $0x3  }
0x151: {  	[tilespmem:v3+s3+$0x0] =	vst.idx.msk $0xffff, v9  }
0x152: {  	v2 =	vld.idx.msk [tilespmem:v8+s4+$0x0], $0xffff  }
0x153: {  	v3 =	vld.idx.msk [tilespmem:v7+s4+$0x0], $0xffff  }
0x154: {  	v59 =	vld.idx.msk [tilespmem:v4+s4+$0x0], $0xffff  }
0x155: {  	v9 =	vld.idx.msk [tilespmem:v6+s4+$0x0], $0xffff;
	_ =	sdelay $0x1  }
0x156: {  	v2 =	vmul.f32 $5.000000000e-01, v2  }
0x157: {  	v3 =	vmul.f32 $5.000000000e-01, v3  }
0x158: {  	v10 =	vsub.f32 v59, v2  }
0x159: {  	v11 =	vsub.f32 v9, v3  }
0x15a: {  	v2 =	vadd.f32 v2, v59;
	v60 =	vmax.f32 v10, $0.0e+00  }
0x15b: {  	v3 =	vadd.f32 v3, v9;
	v61 =	vmax.f32 v11, $0.0e+00;
	v8 =	vmin.f32 v60, v1  }
0x15c: {  	v2 =	vmax.f32 v2, $0.0e+00;
	v9 =	vmin.f32 v61, v0;
	[tilespmem:v4+s3+$0x0] =	vst.idx.msk $0xffff, v8  }
0x15d: {  	v3 =	vmax.f32 v3, $0.0e+00;
	v62 =	vmin.f32 v2, v1;
	[tilespmem:v6+s3+$0x0] =	vst.idx.msk $0xffff, v9  }
0x15e: {  	v63 =	vmin.f32 v3, v0;
	[tilespmem:v5+s3+$0x0] =	vst.idx.msk $0xffff, v62  }
0x15f: {  	s29 =	simm.s32 $0x0;
	s30 =	simm.s32 $0xD080;
	s31 =	simm.s32 $0x1;
	[tilespmem:v7+s3+$0x0] =	vst.idx.msk $0xffff, v63  }
0x160: {  	[hbm4b:s2+s29] =	stream.linear.scatter [tilespmem:s30], [sflag:$0x1], $0x17C0, $0x38;
	[tilespmem:$0xEB00] =	vst v63  }
0x161: {  	_ =	swait.ge [sflag:s31], $0x17C0  }
0x162: {  	[sflag:s31] =	ssyncset.done $0x0  }
0x163: {  	[sflag:s31] =	ssyncadd.s32 $0xFFFFE840  }
.LBB2_27:
0x164: {  	_ =	sfence.sel $0x180000  }
0x165: {  	[bflag:$0x0] =	sbarrier.arrive $0xFFFF  }
0x166: {  	p0 =	sne.s32 s1, $0x0;
	_ =	strace $0x90000047  }
0x167: {  	s0 =	sadd.s32 @!p0 $0x100000, s0;
	[bflag:$0x2] =	sbarrier.arrive $0xFFFF  }
0x168: {  	[sflag:s0] =	ssyncadd.tile.s32 @!p0 $0x1;
	_ =	shalt  }
.Lfunc_end2:
_tile_overlayer_lowered:
.L_overlay_start_2:
0x169: {  	(tag) =	ssettag $0x2  }
0x16a: {  	s0 =	rddreg [dreg:$0x0];
	s2 =	stileid.u32  }
0x16b: {  	s1 =	rddreg [dreg:$0x1];
	p0 =	sne.s32 s2, $0x0  }
0x16c: {  	s3 =	rddreg [dreg:$0x2];
	[bflag:$0x3] =	sbarrier.arrive $0xFFFF;
	s2 =	simm.s32 @!p0 $0x1C01  }
0x16d: {  	[timem:s3], [sflag:s2] =	dma.local @!p0 [hbm:s0], s1  }
0x16e: {  	s0 =	simm.s32 @!p0 $0x1  }
0x16f: {  	_ =	swait.ge @!p0 [sflag:s0], s1  }
0x170: {  	s1 =	ssub.s32 @!p0 $0x0, s1;
	[sflag:s0] =	ssyncset.done @!p0 $0x0  }
0x171: {  	[sflag:s0] =	ssyncadd.s32 @!p0 s1  }
0x172: {  	[bflag:$0x3] =	sbarrier.arrive $0xFFFF  }
0x173: {  	_ =	shalt  }

</sc_bundles>
